<compile_context>
chip_gen: v7x
topology: tpu7x:2x2x1
jax: 0.10.2.dev20260603
libtpu: 0.0.44.dev20260713+nightly
codegen_flags: <defaults>
</compile_context>

<pallas_src>
import functools

import jax
import jax.numpy as jnp
from jax import lax
from jax.experimental import pallas as pl
from jax.experimental.pallas import tpu as pltpu
from jax.experimental.pallas import tpu_sc as plsc

HIDDEN = 32
SEQ = 50
BPC = 8
CHUNK = BPC * SEQ
NC, NS = 2, 16
NW = NC * NS


def _gather_call(table, idx3, n_batch):
    nw, nb, w = idx3.shape
    batches_per_worker = nb * BPC
    mesh = plsc.VectorSubcoreMesh(core_axis_name="c", subcore_axis_name="s")

    @functools.partial(
        pl.kernel,
        out_type=jax.ShapeDtypeStruct((n_batch, SEQ, HIDDEN), table.dtype),
        mesh=mesh,
        scratch_types=[
            pltpu.VMEM((2, w), jnp.int32),
            pltpu.VMEM((CHUNK, HIDDEN), jnp.float32),
            pltpu.VMEM((CHUNK, HIDDEN), jnp.float32),
            pltpu.SemaphoreType.DMA,
            pltpu.SemaphoreType.DMA,
            pltpu.SemaphoreType.DMA,
            pltpu.SemaphoreType.DMA,
            pltpu.SemaphoreType.DMA,
        ],
    )
    def k(table_hbm, idx_hbm, out_hbm, idx_vm, rb0, rb1, si0, sg0, sg1, sw0, sw1):
        wid = lax.axis_index("s") * NC + lax.axis_index("c")
        base_batch = wid * batches_per_worker

        bufs = (rb0, rb1)
        gsems = (sg0, sg1)
        wsems = (sw0, sw1)

        def idx_load(j, t):
            pltpu.make_async_copy(
                idx_hbm.at[wid, j], idx_vm.at[t], si0
            ).start()

        def idx_wait(t):
            pltpu.make_async_copy(
                idx_hbm.at[wid, 0], idx_vm.at[t], si0
            ).wait()

        def gather_chunk(t):
            @pl.loop(0, CHUNK, step=16)
            def _(r):
                v = idx_vm[t, pl.ds(r, 16)]
                for l in range(16):
                    pltpu.make_async_copy(
                        table_hbm.at[pl.ds(v[l], 1)],
                        bufs[t].at[pl.ds(r + l, 1)],
                        gsems[t],
                    ).start()

        def gather_drain(t):
            pltpu.make_async_copy(
                table_hbm.at[pl.ds(0, CHUNK)], bufs[t], gsems[t]
            ).wait()

        def write_start(j, t):
            pltpu.make_async_copy(
                bufs[t].reshape(BPC, SEQ, HIDDEN),
                out_hbm.at[pl.ds(base_batch + j * BPC, BPC)],
                wsems[t],
            ).start()

        def write_wait(t):
            pltpu.make_async_copy(
                bufs[t].reshape(BPC, SEQ, HIDDEN),
                out_hbm.at[pl.ds(base_batch, BPC)],
                wsems[t],
            ).wait()

        idx_load(0, 0)
        idx_load(1, 1)

        @pl.loop(0, nb, step=2)
        def _(j):
            for t in range(2):
                idx_wait(t)

                @pl.when(j > 0)
                def _():
                    write_wait(t)

                gather_chunk(t)

            for t in range(2):
                gather_drain(t)
                write_start(j + t, t)

            @pl.when(j + 2 < nb)
            def _():
                for t in range(2):
                    idx_load(j + 2 + t, t)

        for t in range(2):
            write_wait(t)

    return k(table, idx3)


def kernel(input_ids, table):
    n_batch, seq = input_ids.shape
    idx3 = input_ids.reshape(NW, n_batch * seq // (NW * CHUNK), CHUNK).astype(
        jnp.int32
    )
    return _gather_call(table, idx3, n_batch)

# --- scband reference (transcript-rebuilt; emitter-appended) ---
"""Pipeline reference for scband-embedding-21887153340502 (READ-ONLY COPY).

The authoritative reference and input builder live on the scoring server;
editing this copy changes nothing except your own understanding.
"""

import jax, jax.numpy as jnp
import numpy as np

VOCAB = 1000000
HIDDEN = 32
PADDING_IDX = 0

def setup_inputs(seed: int = 0) -> dict:
    key = jax.random.key(seed)
    k1, k2 = jax.random.split(key)
    input_ids = jax.random.randint(k1, (16384, 50), 0, VOCAB, dtype=jnp.int64) if jax.config.jax_enable_x64 else jax.random.randint(k1, (16384, 50), 0, VOCAB, dtype=jnp.int32)
    table = jax.random.normal(k2, (VOCAB, HIDDEN), dtype=jnp.float32)
    # nn.Embedding zeroes the padding_idx row at init
    table = table.at[PADDING_IDX].set(0.0)
    return {"input_ids": input_ids, "table": table}

def reference(input_ids, table):
    # Faithful to nn.Embedding forward: pure gather of rows
    return jnp.take(table, input_ids, axis=0)

if __name__ == "__main__":
    import jax
    _d = setup_inputs()
    print(jax.jit(kernel)(*tuple(_d.values())))

</pallas_src>

<mosaic_0001>
#map = affine_map<(d0, d1) -> (0, 0)>
#map1 = affine_map<(d0, d1) -> (0, 0, 0)>
module attributes {stable_mosaic.version = 14 : i64} {
  func.func @k(%arg0: i32, %arg1: i32, %arg2: memref<1000000x32xf32, #tpu.memory_space<hbm>>, %arg3: memref<32x64x400xi32, #tpu.memory_space<hbm>>, %arg4: memref<16384x50x32xf32, #tpu.memory_space<hbm>>, %arg5: memref<2x400xi32, #tpu.memory_space<vmem>>, %arg6: memref<400x32xf32, #tpu.memory_space<vmem>>, %arg7: memref<400x32xf32, #tpu.memory_space<vmem>>, %arg8: memref<!tpu.dma_semaphore, #tpu.memory_space<semaphore_mem>>, %arg9: memref<!tpu.dma_semaphore, #tpu.memory_space<semaphore_mem>>, %arg10: memref<!tpu.dma_semaphore, #tpu.memory_space<semaphore_mem>>, %arg11: memref<!tpu.dma_semaphore, #tpu.memory_space<semaphore_mem>>, %arg12: memref<!tpu.dma_semaphore, #tpu.memory_space<semaphore_mem>>) attributes {dimension_semantics = [#tpu.dimension_semantics<core_parallel>, #tpu.dimension_semantics<subcore_parallel>], iteration_bounds = array<i64: 2, 16>, scalar_prefetch = 0 : i64, scratch_operands = 8 : i64, tpu.core_type = #tpu.core_type<sc_vector_subcore>, window_params = [{transform_indices = #map}, {transform_indices = #map1}, {transform_indices = #map1}]} {
    %mul3A = arith.constant 2 : i32
    %mul3A_0 = arith.muli %arg1, %mul3A : i32
    %add3A = arith.addi %mul3A_0, %arg0 : i32
    %mul3A_1 = arith.constant 512 : i32
    %mul3A_2 = arith.muli %add3A, %mul3A_1 : i32
    %dma_start3A = arith.constant 0 : i32
    %dma_start3A_3 = arith.constant 0 : i32
    %dma_start3A_4 = arith.constant 0 : i32
    %dma_start3A_5 = tpu.memref_slice %arg5[%dma_start3A_3, %dma_start3A_4] : memref<2x400xi32, #tpu.memory_space<vmem>> -> memref<1x400xi32, #tpu.memory_space<vmem>>
    %dma_start3A_6 = tpu.memref_squeeze %dma_start3A_5 : memref<1x400xi32, #tpu.memory_space<vmem>> -> memref<400xi32, #tpu.memory_space<vmem>>
    %dma_start3A_7 = arith.constant 0 : i32
    %dma_start3A_8 = tpu.memref_slice %arg3[%add3A, %dma_start3A, %dma_start3A_7] : memref<32x64x400xi32, #tpu.memory_space<hbm>> -> memref<1x1x400xi32, #tpu.memory_space<hbm>>
    %dma_start3A_9 = tpu.memref_squeeze %dma_start3A_8 : memref<1x1x400xi32, #tpu.memory_space<hbm>> -> memref<400xi32, #tpu.memory_space<hbm>>
    %dma_start3A_10 = arith.constant 0 : i32
    %dma_start3A_11 = tpu.memref_slice %arg5[%dma_start3A_3, %dma_start3A_10] : memref<2x400xi32, #tpu.memory_space<vmem>> -> memref<1x400xi32, #tpu.memory_space<vmem>>
    %dma_start3A_12 = tpu.memref_squeeze %dma_start3A_11 : memref<1x400xi32, #tpu.memory_space<vmem>> -> memref<400xi32, #tpu.memory_space<vmem>>
    %dma_start3A_13 = arith.constant 0 : i32
    %dma_start3A_14 = tpu.memref_slice %arg3[%add3A, %dma_start3A, %dma_start3A_13] : memref<32x64x400xi32, #tpu.memory_space<hbm>> -> memref<1x1x400xi32, #tpu.memory_space<hbm>>
    %dma_start3A_15 = tpu.memref_squeeze %dma_start3A_14 : memref<1x1x400xi32, #tpu.memory_space<hbm>> -> memref<400xi32, #tpu.memory_space<hbm>>
    tpu.enqueue_dma source(%dma_start3A_15 : memref<400xi32, #tpu.memory_space<hbm>>) target(%dma_start3A_12 : memref<400xi32, #tpu.memory_space<vmem>>) target_semaphore(%arg8 : memref<!tpu.dma_semaphore, #tpu.memory_space<semaphore_mem>>)
    %dma_start3A_16 = arith.constant 1 : i32
    %dma_start3A_17 = arith.constant 1 : i32
    %dma_start3A_18 = arith.constant 0 : i32
    %dma_start3A_19 = tpu.memref_slice %arg5[%dma_start3A_17, %dma_start3A_18] : memref<2x400xi32, #tpu.memory_space<vmem>> -> memref<1x400xi32, #tpu.memory_space<vmem>>
    %dma_start3A_20 = tpu.memref_squeeze %dma_start3A_19 : memref<1x400xi32, #tpu.memory_space<vmem>> -> memref<400xi32, #tpu.memory_space<vmem>>
    %dma_start3A_21 = arith.constant 0 : i32
    %dma_start3A_22 = tpu.memref_slice %arg3[%add3A, %dma_start3A_16, %dma_start3A_21] : memref<32x64x400xi32, #tpu.memory_space<hbm>> -> memref<1x1x400xi32, #tpu.memory_space<hbm>>
    %dma_start3A_23 = tpu.memref_squeeze %dma_start3A_22 : memref<1x1x400xi32, #tpu.memory_space<hbm>> -> memref<400xi32, #tpu.memory_space<hbm>>
    %dma_start3A_24 = arith.constant 0 : i32
    %dma_start3A_25 = tpu.memref_slice %arg5[%dma_start3A_17, %dma_start3A_24] : memref<2x400xi32, #tpu.memory_space<vmem>> -> memref<1x400xi32, #tpu.memory_space<vmem>>
    %dma_start3A_26 = tpu.memref_squeeze %dma_start3A_25 : memref<1x400xi32, #tpu.memory_space<vmem>> -> memref<400xi32, #tpu.memory_space<vmem>>
    %dma_start3A_27 = arith.constant 0 : i32
    %dma_start3A_28 = tpu.memref_slice %arg3[%add3A, %dma_start3A_16, %dma_start3A_27] : memref<32x64x400xi32, #tpu.memory_space<hbm>> -> memref<1x1x400xi32, #tpu.memory_space<hbm>>
    %dma_start3A_29 = tpu.memref_squeeze %dma_start3A_28 : memref<1x1x400xi32, #tpu.memory_space<hbm>> -> memref<400xi32, #tpu.memory_space<hbm>>
    tpu.enqueue_dma source(%dma_start3A_29 : memref<400xi32, #tpu.memory_space<hbm>>) target(%dma_start3A_26 : memref<400xi32, #tpu.memory_space<vmem>>) target_semaphore(%arg8 : memref<!tpu.dma_semaphore, #tpu.memory_space<semaphore_mem>>)
    %scan3A = arith.constant 0 : i32
    %scan3A_30 = arith.constant 32 : i32
    %scan3A_31 = arith.addi %scan3A, %scan3A_30 : i32
    %scan3A_32 = arith.constant 1 : i32
    scf.for %scan3A_49 = %scan3A to %scan3A_31 step %scan3A_32  : i32 {
      %mul3A_50 = arith.constant 2 : i32
      %mul3A_51 = arith.muli %scan3A_49, %mul3A_50 : i32
      %add3A_52 = arith.constant 0 : i32
      %add3A_53 = arith.addi %add3A_52, %mul3A_51 : i32
      %dma_wait3A_54 = arith.constant 0 : i32
      %dma_wait3A_55 = arith.constant 0 : i32
      %dma_wait3A_56 = arith.constant 0 : i32
      %dma_wait3A_57 = tpu.memref_slice %arg5[%dma_wait3A_55, %dma_wait3A_56] : memref<2x400xi32, #tpu.memory_space<vmem>> -> memref<1x400xi32, #tpu.memory_space<vmem>>
      %dma_wait3A_58 = tpu.memref_squeeze %dma_wait3A_57 : memref<1x400xi32, #tpu.memory_space<vmem>> -> memref<400xi32, #tpu.memory_space<vmem>>
      %dma_wait3A_59 = arith.constant 0 : i32
      %dma_wait3A_60 = tpu.memref_slice %arg3[%add3A, %dma_wait3A_54, %dma_wait3A_59] : memref<32x64x400xi32, #tpu.memory_space<hbm>> -> memref<1x1x400xi32, #tpu.memory_space<hbm>>
      %dma_wait3A_61 = tpu.memref_squeeze %dma_wait3A_60 : memref<1x1x400xi32, #tpu.memory_space<hbm>> -> memref<400xi32, #tpu.memory_space<hbm>>
      %dma_wait3A_62 = arith.constant 0 : i32
      %dma_wait3A_63 = tpu.memref_slice %arg5[%dma_wait3A_55, %dma_wait3A_62] : memref<2x400xi32, #tpu.memory_space<vmem>> -> memref<1x400xi32, #tpu.memory_space<vmem>>
      %dma_wait3A_64 = tpu.memref_squeeze %dma_wait3A_63 : memref<1x400xi32, #tpu.memory_space<vmem>> -> memref<400xi32, #tpu.memory_space<vmem>>
      %dma_wait3A_65 = arith.constant 0 : i32
      %dma_wait3A_66 = tpu.memref_slice %arg3[%add3A, %dma_wait3A_54, %dma_wait3A_65] : memref<32x64x400xi32, #tpu.memory_space<hbm>> -> memref<1x1x400xi32, #tpu.memory_space<hbm>>
      %dma_wait3A_67 = tpu.memref_squeeze %dma_wait3A_66 : memref<1x1x400xi32, #tpu.memory_space<hbm>> -> memref<400xi32, #tpu.memory_space<hbm>>
      tpu.wait_dma2 semaphore(%arg8 : memref<!tpu.dma_semaphore, #tpu.memory_space<semaphore_mem>>) src(%dma_wait3A_67 : memref<400xi32, #tpu.memory_space<hbm>>) dst(%dma_wait3A_64 : memref<400xi32, #tpu.memory_space<vmem>>)
      %gt3A = arith.constant 0 : i32
      %gt3A_68 = arith.cmpi sgt, %add3A_53, %gt3A : i32
      %convert_element_type3A = arith.extui %gt3A_68 : i1 to i32
      %cond3A = arith.constant 0 : i32
      %cond3A_69 = arith.cmpi ne, %convert_element_type3A, %cond3A : i32
      scf.if %cond3A_69 {
        %dma_wait3A_143 = tpu.memref_reshape %arg6 : memref<400x32xf32, #tpu.memory_space<vmem>> -> memref<8x50x32xf32, #tpu.memory_space<vmem>>
        %dma_wait3A_144 = arith.constant 0 : i32
        %dma_wait3A_145 = arith.constant 0 : i32
        %dma_wait3A_146 = tpu.memref_slice %arg4[%mul3A_2, %dma_wait3A_144, %dma_wait3A_145] : memref<16384x50x32xf32, #tpu.memory_space<hbm>> -> memref<8x50x32xf32, #tpu.memory_space<hbm>>
        %dma_wait3A_147 = arith.constant 0 : i32
        %dma_wait3A_148 = arith.constant 0 : i32
        %dma_wait3A_149 = tpu.memref_slice %arg4[%mul3A_2, %dma_wait3A_147, %dma_wait3A_148] : memref<16384x50x32xf32, #tpu.memory_space<hbm>> -> memref<8x50x32xf32, #tpu.memory_space<hbm>>
        %dma_wait3A_150 = tpu.memref_reshape %arg6 : memref<400x32xf32, #tpu.memory_space<vmem>> -> memref<8x50x32xf32, #tpu.memory_space<vmem>>
        tpu.wait_dma2 semaphore(%arg11 : memref<!tpu.dma_semaphore, #tpu.memory_space<semaphore_mem>>) src(%dma_wait3A_150 : memref<8x50x32xf32, #tpu.memory_space<vmem>>) dst(%dma_wait3A_149 : memref<8x50x32xf32, #tpu.memory_space<hbm>>)
      } else {
      }
      %scan3A_70 = arith.constant 0 : i32
      %scan3A_71 = arith.constant 25 : i32
      %scan3A_72 = arith.addi %scan3A_70, %scan3A_71 : i32
      %scan3A_73 = arith.constant 1 : i32
      scf.for %scan3A_143 = %scan3A_70 to %scan3A_72 step %scan3A_73  : i32 {
        %mul3A_144 = arith.constant 16 : i32
        %mul3A_145 = arith.muli %scan3A_143, %mul3A_144 : i32
        %add3A_146 = arith.constant 0 : i32
        %add3A_147 = arith.addi %add3A_146, %mul3A_145 : i32
        %get3A = arith.constant 0 : i32
        %get3A_148 = arith.index_cast %get3A : i32 to index
        %get3A_149 = arith.index_cast %add3A_147 : i32 to index
        %get3A_150 = tpu.vector_load %arg5[%get3A_148, %get3A_149] {strides = array<i32>} : memref<2x400xi32, #tpu.memory_space<vmem>>, vector<1x16xi32>,
        %get3A_151 = vector.shape_cast %get3A_150 : vector<1x16xi32> to vector<16xi32>
        %slice3A = vector.extract_strided_slice %get3A_151 {offsets = [0], sizes = [1], strides = [1]} : vector<16xi32> to vector<1xi32>
        %squeeze3A = vector.extract %slice3A[0] : i32 from vector<1xi32>
        %add3A_152 = arith.constant 0 : i32
        %add3A_153 = arith.addi %add3A_147, %add3A_152 : i32
        %dma_start3A_154 = arith.constant 0 : i32
        %dma_start3A_155 = tpu.memref_slice %arg6[%add3A_153, %dma_start3A_154] : memref<400x32xf32, #tpu.memory_space<vmem>> -> memref<1x32xf32, #tpu.memory_space<vmem>>
        %dma_start3A_156 = arith.constant 0 : i32
        %dma_start3A_157 = tpu.memref_slice %arg2[%squeeze3A, %dma_start3A_156] : memref<1000000x32xf32, #tpu.memory_space<hbm>> -> memref<1x32xf32, #tpu.memory_space<hbm>>
        %dma_start3A_158 = arith.constant 0 : i32
        %dma_start3A_159 = tpu.memref_slice %arg6[%add3A_153, %dma_start3A_158] : memref<400x32xf32, #tpu.memory_space<vmem>> -> memref<1x32xf32, #tpu.memory_space<vmem>>
        %dma_start3A_160 = arith.constant 0 : i32
        %dma_start3A_161 = tpu.memref_slice %arg2[%squeeze3A, %dma_start3A_160] : memref<1000000x32xf32, #tpu.memory_space<hbm>> -> memref<1x32xf32, #tpu.memory_space<hbm>>
        tpu.enqueue_dma source(%dma_start3A_161 : memref<1x32xf32, #tpu.memory_space<hbm>>) target(%dma_start3A_159 : memref<1x32xf32, #tpu.memory_space<vmem>>) target_semaphore(%arg9 : memref<!tpu.dma_semaphore, #tpu.memory_space<semaphore_mem>>)
        %slice3A_162 = vector.extract_strided_slice %get3A_151 {offsets = [1], sizes = [1], strides = [1]} : vector<16xi32> to vector<1xi32>
        %squeeze3A_163 = vector.extract %slice3A_162[0] : i32 from vector<1xi32>
        %add3A_164 = arith.constant 1 : i32
        %add3A_165 = arith.addi %add3A_147, %add3A_164 : i32
        %dma_start3A_166 = arith.constant 0 : i32
        %dma_start3A_167 = tpu.memref_slice %arg6[%add3A_165, %dma_start3A_166] : memref<400x32xf32, #tpu.memory_space<vmem>> -> memref<1x32xf32, #tpu.memory_space<vmem>>
        %dma_start3A_168 = arith.constant 0 : i32
        %dma_start3A_169 = tpu.memref_slice %arg2[%squeeze3A_163, %dma_start3A_168] : memref<1000000x32xf32, #tpu.memory_space<hbm>> -> memref<1x32xf32, #tpu.memory_space<hbm>>
        %dma_start3A_170 = arith.constant 0 : i32
        %dma_start3A_171 = tpu.memref_slice %arg6[%add3A_165, %dma_start3A_170] : memref<400x32xf32, #tpu.memory_space<vmem>> -> memref<1x32xf32, #tpu.memory_space<vmem>>
        %dma_start3A_172 = arith.constant 0 : i32
        %dma_start3A_173 = tpu.memref_slice %arg2[%squeeze3A_163, %dma_start3A_172] : memref<1000000x32xf32, #tpu.memory_space<hbm>> -> memref<1x32xf32, #tpu.memory_space<hbm>>
        tpu.enqueue_dma source(%dma_start3A_173 : memref<1x32xf32, #tpu.memory_space<hbm>>) target(%dma_start3A_171 : memref<1x32xf32, #tpu.memory_space<vmem>>) target_semaphore(%arg9 : memref<!tpu.dma_semaphore, #tpu.memory_space<semaphore_mem>>)
        %slice3A_174 = vector.extract_strided_slice %get3A_151 {offsets = [2], sizes = [1], strides = [1]} : vector<16xi32> to vector<1xi32>
        %squeeze3A_175 = vector.extract %slice3A_174[0] : i32 from vector<1xi32>
        %add3A_176 = arith.constant 2 : i32
        %add3A_177 = arith.addi %add3A_147, %add3A_176 : i32
        %dma_start3A_178 = arith.constant 0 : i32
        %dma_start3A_179 = tpu.memref_slice %arg6[%add3A_177, %dma_start3A_178] : memref<400x32xf32, #tpu.memory_space<vmem>> -> memref<1x32xf32, #tpu.memory_space<vmem>>
        %dma_start3A_180 = arith.constant 0 : i32
        %dma_start3A_181 = tpu.memref_slice %arg2[%squeeze3A_175, %dma_start3A_180] : memref<1000000x32xf32, #tpu.memory_space<hbm>> -> memref<1x32xf32, #tpu.memory_space<hbm>>
        %dma_start3A_182 = arith.constant 0 : i32
        %dma_start3A_183 = tpu.memref_slice %arg6[%add3A_177, %dma_start3A_182] : memref<400x32xf32, #tpu.memory_space<vmem>> -> memref<1x32xf32, #tpu.memory_space<vmem>>
        %dma_start3A_184 = arith.constant 0 : i32
        %dma_start3A_185 = tpu.memref_slice %arg2[%squeeze3A_175, %dma_start3A_184] : memref<1000000x32xf32, #tpu.memory_space<hbm>> -> memref<1x32xf32, #tpu.memory_space<hbm>>
        tpu.enqueue_dma source(%dma_start3A_185 : memref<1x32xf32, #tpu.memory_space<hbm>>) target(%dma_start3A_183 : memref<1x32xf32, #tpu.memory_space<vmem>>) target_semaphore(%arg9 : memref<!tpu.dma_semaphore, #tpu.memory_space<semaphore_mem>>)
        %slice3A_186 = vector.extract_strided_slice %get3A_151 {offsets = [3], sizes = [1], strides = [1]} : vector<16xi32> to vector<1xi32>
        %squeeze3A_187 = vector.extract %slice3A_186[0] : i32 from vector<1xi32>
        %add3A_188 = arith.constant 3 : i32
        %add3A_189 = arith.addi %add3A_147, %add3A_188 : i32
        %dma_start3A_190 = arith.constant 0 : i32
        %dma_start3A_191 = tpu.memref_slice %arg6[%add3A_189, %dma_start3A_190] : memref<400x32xf32, #tpu.memory_space<vmem>> -> memref<1x32xf32, #tpu.memory_space<vmem>>
        %dma_start3A_192 = arith.constant 0 : i32
        %dma_start3A_193 = tpu.memref_slice %arg2[%squeeze3A_187, %dma_start3A_192] : memref<1000000x32xf32, #tpu.memory_space<hbm>> -> memref<1x32xf32, #tpu.memory_space<hbm>>
        %dma_start3A_194 = arith.constant 0 : i32
        %dma_start3A_195 = tpu.memref_slice %arg6[%add3A_189, %dma_start3A_194] : memref<400x32xf32, #tpu.memory_space<vmem>> -> memref<1x32xf32, #tpu.memory_space<vmem>>
        %dma_start3A_196 = arith.constant 0 : i32
        %dma_start3A_197 = tpu.memref_slice %arg2[%squeeze3A_187, %dma_start3A_196] : memref<1000000x32xf32, #tpu.memory_space<hbm>> -> memref<1x32xf32, #tpu.memory_space<hbm>>
        tpu.enqueue_dma source(%dma_start3A_197 : memref<1x32xf32, #tpu.memory_space<hbm>>) target(%dma_start3A_195 : memref<1x32xf32, #tpu.memory_space<vmem>>) target_semaphore(%arg9 : memref<!tpu.dma_semaphore, #tpu.memory_space<semaphore_mem>>)
        %slice3A_198 = vector.extract_strided_slice %get3A_151 {offsets = [4], sizes = [1], strides = [1]} : vector<16xi32> to vector<1xi32>
        %squeeze3A_199 = vector.extract %slice3A_198[0] : i32 from vector<1xi32>
        %add3A_200 = arith.constant 4 : i32
        %add3A_201 = arith.addi %add3A_147, %add3A_200 : i32
        %dma_start3A_202 = arith.constant 0 : i32
        %dma_start3A_203 = tpu.memref_slice %arg6[%add3A_201, %dma_start3A_202] : memref<400x32xf32, #tpu.memory_space<vmem>> -> memref<1x32xf32, #tpu.memory_space<vmem>>
        %dma_start3A_204 = arith.constant 0 : i32
        %dma_start3A_205 = tpu.memref_slice %arg2[%squeeze3A_199, %dma_start3A_204] : memref<1000000x32xf32, #tpu.memory_space<hbm>> -> memref<1x32xf32, #tpu.memory_space<hbm>>
        %dma_start3A_206 = arith.constant 0 : i32
        %dma_start3A_207 = tpu.memref_slice %arg6[%add3A_201, %dma_start3A_206] : memref<400x32xf32, #tpu.memory_space<vmem>> -> memref<1x32xf32, #tpu.memory_space<vmem>>
        %dma_start3A_208 = arith.constant 0 : i32
        %dma_start3A_209 = tpu.memref_slice %arg2[%squeeze3A_199, %dma_start3A_208] : memref<1000000x32xf32, #tpu.memory_space<hbm>> -> memref<1x32xf32, #tpu.memory_space<hbm>>
        tpu.enqueue_dma source(%dma_start3A_209 : memref<1x32xf32, #tpu.memory_space<hbm>>) target(%dma_start3A_207 : memref<1x32xf32, #tpu.memory_space<vmem>>) target_semaphore(%arg9 : memref<!tpu.dma_semaphore, #tpu.memory_space<semaphore_mem>>)
        %slice3A_210 = vector.extract_strided_slice %get3A_151 {offsets = [5], sizes = [1], strides = [1]} : vector<16xi32> to vector<1xi32>
        %squeeze3A_211 = vector.extract %slice3A_210[0] : i32 from vector<1xi32>
        %add3A_212 = arith.constant 5 : i32
        %add3A_213 = arith.addi %add3A_147, %add3A_212 : i32
        %dma_start3A_214 = arith.constant 0 : i32
        %dma_start3A_215 = tpu.memref_slice %arg6[%add3A_213, %dma_start3A_214] : memref<400x32xf32, #tpu.memory_space<vmem>> -> memref<1x32xf32, #tpu.memory_space<vmem>>
        %dma_start3A_216 = arith.constant 0 : i32
        %dma_start3A_217 = tpu.memref_slice %arg2[%squeeze3A_211, %dma_start3A_216] : memref<1000000x32xf32, #tpu.memory_space<hbm>> -> memref<1x32xf32, #tpu.memory_space<hbm>>
        %dma_start3A_218 = arith.constant 0 : i32
        %dma_start3A_219 = tpu.memref_slice %arg6[%add3A_213, %dma_start3A_218] : memref<400x32xf32, #tpu.memory_space<vmem>> -> memref<1x32xf32, #tpu.memory_space<vmem>>
        %dma_start3A_220 = arith.constant 0 : i32
        %dma_start3A_221 = tpu.memref_slice %arg2[%squeeze3A_211, %dma_start3A_220] : memref<1000000x32xf32, #tpu.memory_space<hbm>> -> memref<1x32xf32, #tpu.memory_space<hbm>>
        tpu.enqueue_dma source(%dma_start3A_221 : memref<1x32xf32, #tpu.memory_space<hbm>>) target(%dma_start3A_219 : memref<1x32xf32, #tpu.memory_space<vmem>>) target_semaphore(%arg9 : memref<!tpu.dma_semaphore, #tpu.memory_space<semaphore_mem>>)
        %slice3A_222 = vector.extract_strided_slice %get3A_151 {offsets = [6], sizes = [1], strides = [1]} : vector<16xi32> to vector<1xi32>
        %squeeze3A_223 = vector.extract %slice3A_222[0] : i32 from vector<1xi32>
        %add3A_224 = arith.constant 6 : i32
        %add3A_225 = arith.addi %add3A_147, %add3A_224 : i32
        %dma_start3A_226 = arith.constant 0 : i32
        %dma_start3A_227 = tpu.memref_slice %arg6[%add3A_225, %dma_start3A_226] : memref<400x32xf32, #tpu.memory_space<vmem>> -> memref<1x32xf32, #tpu.memory_space<vmem>>
        %dma_start3A_228 = arith.constant 0 : i32
        %dma_start3A_229 = tpu.memref_slice %arg2[%squeeze3A_223, %dma_start3A_228] : memref<1000000x32xf32, #tpu.memory_space<hbm>> -> memref<1x32xf32, #tpu.memory_space<hbm>>
        %dma_start3A_230 = arith.constant 0 : i32
        %dma_start3A_231 = tpu.memref_slice %arg6[%add3A_225, %dma_start3A_230] : memref<400x32xf32, #tpu.memory_space<vmem>> -> memref<1x32xf32, #tpu.memory_space<vmem>>
        %dma_start3A_232 = arith.constant 0 : i32
        %dma_start3A_233 = tpu.memref_slice %arg2[%squeeze3A_223, %dma_start3A_232] : memref<1000000x32xf32, #tpu.memory_space<hbm>> -> memref<1x32xf32, #tpu.memory_space<hbm>>
        tpu.enqueue_dma source(%dma_start3A_233 : memref<1x32xf32, #tpu.memory_space<hbm>>) target(%dma_start3A_231 : memref<1x32xf32, #tpu.memory_space<vmem>>) target_semaphore(%arg9 : memref<!tpu.dma_semaphore, #tpu.memory_space<semaphore_mem>>)
        %slice3A_234 = vector.extract_strided_slice %get3A_151 {offsets = [7], sizes = [1], strides = [1]} : vector<16xi32> to vector<1xi32>
        %squeeze3A_235 = vector.extract %slice3A_234[0] : i32 from vector<1xi32>
        %add3A_236 = arith.constant 7 : i32
        %add3A_237 = arith.addi %add3A_147, %add3A_236 : i32
        %dma_start3A_238 = arith.constant 0 : i32
        %dma_start3A_239 = tpu.memref_slice %arg6[%add3A_237, %dma_start3A_238] : memref<400x32xf32, #tpu.memory_space<vmem>> -> memref<1x32xf32, #tpu.memory_space<vmem>>
        %dma_start3A_240 = arith.constant 0 : i32
        %dma_start3A_241 = tpu.memref_slice %arg2[%squeeze3A_235, %dma_start3A_240] : memref<1000000x32xf32, #tpu.memory_space<hbm>> -> memref<1x32xf32, #tpu.memory_space<hbm>>
        %dma_start3A_242 = arith.constant 0 : i32
        %dma_start3A_243 = tpu.memref_slice %arg6[%add3A_237, %dma_start3A_242] : memref<400x32xf32, #tpu.memory_space<vmem>> -> memref<1x32xf32, #tpu.memory_space<vmem>>
        %dma_start3A_244 = arith.constant 0 : i32
        %dma_start3A_245 = tpu.memref_slice %arg2[%squeeze3A_235, %dma_start3A_244] : memref<1000000x32xf32, #tpu.memory_space<hbm>> -> memref<1x32xf32, #tpu.memory_space<hbm>>
        tpu.enqueue_dma source(%dma_start3A_245 : memref<1x32xf32, #tpu.memory_space<hbm>>) target(%dma_start3A_243 : memref<1x32xf32, #tpu.memory_space<vmem>>) target_semaphore(%arg9 : memref<!tpu.dma_semaphore, #tpu.memory_space<semaphore_mem>>)
        %slice3A_246 = vector.extract_strided_slice %get3A_151 {offsets = [8], sizes = [1], strides = [1]} : vector<16xi32> to vector<1xi32>
        %squeeze3A_247 = vector.extract %slice3A_246[0] : i32 from vector<1xi32>
        %add3A_248 = arith.constant 8 : i32
        %add3A_249 = arith.addi %add3A_147, %add3A_248 : i32
        %dma_start3A_250 = arith.constant 0 : i32
        %dma_start3A_251 = tpu.memref_slice %arg6[%add3A_249, %dma_start3A_250] : memref<400x32xf32, #tpu.memory_space<vmem>> -> memref<1x32xf32, #tpu.memory_space<vmem>>
        %dma_start3A_252 = arith.constant 0 : i32
        %dma_start3A_253 = tpu.memref_slice %arg2[%squeeze3A_247, %dma_start3A_252] : memref<1000000x32xf32, #tpu.memory_space<hbm>> -> memref<1x32xf32, #tpu.memory_space<hbm>>
        %dma_start3A_254 = arith.constant 0 : i32
        %dma_start3A_255 = tpu.memref_slice %arg6[%add3A_249, %dma_start3A_254] : memref<400x32xf32, #tpu.memory_space<vmem>> -> memref<1x32xf32, #tpu.memory_space<vmem>>
        %dma_start3A_256 = arith.constant 0 : i32
        %dma_start3A_257 = tpu.memref_slice %arg2[%squeeze3A_247, %dma_start3A_256] : memref<1000000x32xf32, #tpu.memory_space<hbm>> -> memref<1x32xf32, #tpu.memory_space<hbm>>
        tpu.enqueue_dma source(%dma_start3A_257 : memref<1x32xf32, #tpu.memory_space<hbm>>) target(%dma_start3A_255 : memref<1x32xf32, #tpu.memory_space<vmem>>) target_semaphore(%arg9 : memref<!tpu.dma_semaphore, #tpu.memory_space<semaphore_mem>>)
        %slice3A_258 = vector.extract_strided_slice %get3A_151 {offsets = [9], sizes = [1], strides = [1]} : vector<16xi32> to vector<1xi32>
        %squeeze3A_259 = vector.extract %slice3A_258[0] : i32 from vector<1xi32>
        %add3A_260 = arith.constant 9 : i32
        %add3A_261 = arith.addi %add3A_147, %add3A_260 : i32
        %dma_start3A_262 = arith.constant 0 : i32
        %dma_start3A_263 = tpu.memref_slice %arg6[%add3A_261, %dma_start3A_262] : memref<400x32xf32, #tpu.memory_space<vmem>> -> memref<1x32xf32, #tpu.memory_space<vmem>>
        %dma_start3A_264 = arith.constant 0 : i32
        %dma_start3A_265 = tpu.memref_slice %arg2[%squeeze3A_259, %dma_start3A_264] : memref<1000000x32xf32, #tpu.memory_space<hbm>> -> memref<1x32xf32, #tpu.memory_space<hbm>>
        %dma_start3A_266 = arith.constant 0 : i32
        %dma_start3A_267 = tpu.memref_slice %arg6[%add3A_261, %dma_start3A_266] : memref<400x32xf32, #tpu.memory_space<vmem>> -> memref<1x32xf32, #tpu.memory_space<vmem>>
        %dma_start3A_268 = arith.constant 0 : i32
        %dma_start3A_269 = tpu.memref_slice %arg2[%squeeze3A_259, %dma_start3A_268] : memref<1000000x32xf32, #tpu.memory_space<hbm>> -> memref<1x32xf32, #tpu.memory_space<hbm>>
        tpu.enqueue_dma source(%dma_start3A_269 : memref<1x32xf32, #tpu.memory_space<hbm>>) target(%dma_start3A_267 : memref<1x32xf32, #tpu.memory_space<vmem>>) target_semaphore(%arg9 : memref<!tpu.dma_semaphore, #tpu.memory_space<semaphore_mem>>)
        %slice3A_270 = vector.extract_strided_slice %get3A_151 {offsets = [10], sizes = [1], strides = [1]} : vector<16xi32> to vector<1xi32>
        %squeeze3A_271 = vector.extract %slice3A_270[0] : i32 from vector<1xi32>
        %add3A_272 = arith.constant 10 : i32
        %add3A_273 = arith.addi %add3A_147, %add3A_272 : i32
        %dma_start3A_274 = arith.constant 0 : i32
        %dma_start3A_275 = tpu.memref_slice %arg6[%add3A_273, %dma_start3A_274] : memref<400x32xf32, #tpu.memory_space<vmem>> -> memref<1x32xf32, #tpu.memory_space<vmem>>
        %dma_start3A_276 = arith.constant 0 : i32
        %dma_start3A_277 = tpu.memref_slice %arg2[%squeeze3A_271, %dma_start3A_276] : memref<1000000x32xf32, #tpu.memory_space<hbm>> -> memref<1x32xf32, #tpu.memory_space<hbm>>
        %dma_start3A_278 = arith.constant 0 : i32
        %dma_start3A_279 = tpu.memref_slice %arg6[%add3A_273, %dma_start3A_278] : memref<400x32xf32, #tpu.memory_space<vmem>> -> memref<1x32xf32, #tpu.memory_space<vmem>>
        %dma_start3A_280 = arith.constant 0 : i32
        %dma_start3A_281 = tpu.memref_slice %arg2[%squeeze3A_271, %dma_start3A_280] : memref<1000000x32xf32, #tpu.memory_space<hbm>> -> memref<1x32xf32, #tpu.memory_space<hbm>>
        tpu.enqueue_dma source(%dma_start3A_281 : memref<1x32xf32, #tpu.memory_space<hbm>>) target(%dma_start3A_279 : memref<1x32xf32, #tpu.memory_space<vmem>>) target_semaphore(%arg9 : memref<!tpu.dma_semaphore, #tpu.memory_space<semaphore_mem>>)
        %slice3A_282 = vector.extract_strided_slice %get3A_151 {offsets = [11], sizes = [1], strides = [1]} : vector<16xi32> to vector<1xi32>
        %squeeze3A_283 = vector.extract %slice3A_282[0] : i32 from vector<1xi32>
        %add3A_284 = arith.constant 11 : i32
        %add3A_285 = arith.addi %add3A_147, %add3A_284 : i32
        %dma_start3A_286 = arith.constant 0 : i32
        %dma_start3A_287 = tpu.memref_slice %arg6[%add3A_285, %dma_start3A_286] : memref<400x32xf32, #tpu.memory_space<vmem>> -> memref<1x32xf32, #tpu.memory_space<vmem>>
        %dma_start3A_288 = arith.constant 0 : i32
        %dma_start3A_289 = tpu.memref_slice %arg2[%squeeze3A_283, %dma_start3A_288] : memref<1000000x32xf32, #tpu.memory_space<hbm>> -> memref<1x32xf32, #tpu.memory_space<hbm>>
        %dma_start3A_290 = arith.constant 0 : i32
        %dma_start3A_291 = tpu.memref_slice %arg6[%add3A_285, %dma_start3A_290] : memref<400x32xf32, #tpu.memory_space<vmem>> -> memref<1x32xf32, #tpu.memory_space<vmem>>
        %dma_start3A_292 = arith.constant 0 : i32
        %dma_start3A_293 = tpu.memref_slice %arg2[%squeeze3A_283, %dma_start3A_292] : memref<1000000x32xf32, #tpu.memory_space<hbm>> -> memref<1x32xf32, #tpu.memory_space<hbm>>
        tpu.enqueue_dma source(%dma_start3A_293 : memref<1x32xf32, #tpu.memory_space<hbm>>) target(%dma_start3A_291 : memref<1x32xf32, #tpu.memory_space<vmem>>) target_semaphore(%arg9 : memref<!tpu.dma_semaphore, #tpu.memory_space<semaphore_mem>>)
        %slice3A_294 = vector.extract_strided_slice %get3A_151 {offsets = [12], sizes = [1], strides = [1]} : vector<16xi32> to vector<1xi32>
        %squeeze3A_295 = vector.extract %slice3A_294[0] : i32 from vector<1xi32>
        %add3A_296 = arith.constant 12 : i32
        %add3A_297 = arith.addi %add3A_147, %add3A_296 : i32
        %dma_start3A_298 = arith.constant 0 : i32
        %dma_start3A_299 = tpu.memref_slice %arg6[%add3A_297, %dma_start3A_298] : memref<400x32xf32, #tpu.memory_space<vmem>> -> memref<1x32xf32, #tpu.memory_space<vmem>>
        %dma_start3A_300 = arith.constant 0 : i32
        %dma_start3A_301 = tpu.memref_slice %arg2[%squeeze3A_295, %dma_start3A_300] : memref<1000000x32xf32, #tpu.memory_space<hbm>> -> memref<1x32xf32, #tpu.memory_space<hbm>>
        %dma_start3A_302 = arith.constant 0 : i32
        %dma_start3A_303 = tpu.memref_slice %arg6[%add3A_297, %dma_start3A_302] : memref<400x32xf32, #tpu.memory_space<vmem>> -> memref<1x32xf32, #tpu.memory_space<vmem>>
        %dma_start3A_304 = arith.constant 0 : i32
        %dma_start3A_305 = tpu.memref_slice %arg2[%squeeze3A_295, %dma_start3A_304] : memref<1000000x32xf32, #tpu.memory_space<hbm>> -> memref<1x32xf32, #tpu.memory_space<hbm>>
        tpu.enqueue_dma source(%dma_start3A_305 : memref<1x32xf32, #tpu.memory_space<hbm>>) target(%dma_start3A_303 : memref<1x32xf32, #tpu.memory_space<vmem>>) target_semaphore(%arg9 : memref<!tpu.dma_semaphore, #tpu.memory_space<semaphore_mem>>)
        %slice3A_306 = vector.extract_strided_slice %get3A_151 {offsets = [13], sizes = [1], strides = [1]} : vector<16xi32> to vector<1xi32>
        %squeeze3A_307 = vector.extract %slice3A_306[0] : i32 from vector<1xi32>
        %add3A_308 = arith.constant 13 : i32
        %add3A_309 = arith.addi %add3A_147, %add3A_308 : i32
        %dma_start3A_310 = arith.constant 0 : i32
        %dma_start3A_311 = tpu.memref_slice %arg6[%add3A_309, %dma_start3A_310] : memref<400x32xf32, #tpu.memory_space<vmem>> -> memref<1x32xf32, #tpu.memory_space<vmem>>
        %dma_start3A_312 = arith.constant 0 : i32
        %dma_start3A_313 = tpu.memref_slice %arg2[%squeeze3A_307, %dma_start3A_312] : memref<1000000x32xf32, #tpu.memory_space<hbm>> -> memref<1x32xf32, #tpu.memory_space<hbm>>
        %dma_start3A_314 = arith.constant 0 : i32
        %dma_start3A_315 = tpu.memref_slice %arg6[%add3A_309, %dma_start3A_314] : memref<400x32xf32, #tpu.memory_space<vmem>> -> memref<1x32xf32, #tpu.memory_space<vmem>>
        %dma_start3A_316 = arith.constant 0 : i32
        %dma_start3A_317 = tpu.memref_slice %arg2[%squeeze3A_307, %dma_start3A_316] : memref<1000000x32xf32, #tpu.memory_space<hbm>> -> memref<1x32xf32, #tpu.memory_space<hbm>>
        tpu.enqueue_dma source(%dma_start3A_317 : memref<1x32xf32, #tpu.memory_space<hbm>>) target(%dma_start3A_315 : memref<1x32xf32, #tpu.memory_space<vmem>>) target_semaphore(%arg9 : memref<!tpu.dma_semaphore, #tpu.memory_space<semaphore_mem>>)
        %slice3A_318 = vector.extract_strided_slice %get3A_151 {offsets = [14], sizes = [1], strides = [1]} : vector<16xi32> to vector<1xi32>
        %squeeze3A_319 = vector.extract %slice3A_318[0] : i32 from vector<1xi32>
        %add3A_320 = arith.constant 14 : i32
        %add3A_321 = arith.addi %add3A_147, %add3A_320 : i32
        %dma_start3A_322 = arith.constant 0 : i32
        %dma_start3A_323 = tpu.memref_slice %arg6[%add3A_321, %dma_start3A_322] : memref<400x32xf32, #tpu.memory_space<vmem>> -> memref<1x32xf32, #tpu.memory_space<vmem>>
        %dma_start3A_324 = arith.constant 0 : i32
        %dma_start3A_325 = tpu.memref_slice %arg2[%squeeze3A_319, %dma_start3A_324] : memref<1000000x32xf32, #tpu.memory_space<hbm>> -> memref<1x32xf32, #tpu.memory_space<hbm>>
        %dma_start3A_326 = arith.constant 0 : i32
        %dma_start3A_327 = tpu.memref_slice %arg6[%add3A_321, %dma_start3A_326] : memref<400x32xf32, #tpu.memory_space<vmem>> -> memref<1x32xf32, #tpu.memory_space<vmem>>
        %dma_start3A_328 = arith.constant 0 : i32
        %dma_start3A_329 = tpu.memref_slice %arg2[%squeeze3A_319, %dma_start3A_328] : memref<1000000x32xf32, #tpu.memory_space<hbm>> -> memref<1x32xf32, #tpu.memory_space<hbm>>
        tpu.enqueue_dma source(%dma_start3A_329 : memref<1x32xf32, #tpu.memory_space<hbm>>) target(%dma_start3A_327 : memref<1x32xf32, #tpu.memory_space<vmem>>) target_semaphore(%arg9 : memref<!tpu.dma_semaphore, #tpu.memory_space<semaphore_mem>>)
        %slice3A_330 = vector.extract_strided_slice %get3A_151 {offsets = [15], sizes = [1], strides = [1]} : vector<16xi32> to vector<1xi32>
        %squeeze3A_331 = vector.extract %slice3A_330[0] : i32 from vector<1xi32>
        %add3A_332 = arith.constant 15 : i32
        %add3A_333 = arith.addi %add3A_147, %add3A_332 : i32
        %dma_start3A_334 = arith.constant 0 : i32
        %dma_start3A_335 = tpu.memref_slice %arg6[%add3A_333, %dma_start3A_334] : memref<400x32xf32, #tpu.memory_space<vmem>> -> memref<1x32xf32, #tpu.memory_space<vmem>>
        %dma_start3A_336 = arith.constant 0 : i32
        %dma_start3A_337 = tpu.memref_slice %arg2[%squeeze3A_331, %dma_start3A_336] : memref<1000000x32xf32, #tpu.memory_space<hbm>> -> memref<1x32xf32, #tpu.memory_space<hbm>>
        %dma_start3A_338 = arith.constant 0 : i32
        %dma_start3A_339 = tpu.memref_slice %arg6[%add3A_333, %dma_start3A_338] : memref<400x32xf32, #tpu.memory_space<vmem>> -> memref<1x32xf32, #tpu.memory_space<vmem>>
        %dma_start3A_340 = arith.constant 0 : i32
        %dma_start3A_341 = tpu.memref_slice %arg2[%squeeze3A_331, %dma_start3A_340] : memref<1000000x32xf32, #tpu.memory_space<hbm>> -> memref<1x32xf32, #tpu.memory_space<hbm>>
        tpu.enqueue_dma source(%dma_start3A_341 : memref<1x32xf32, #tpu.memory_space<hbm>>) target(%dma_start3A_339 : memref<1x32xf32, #tpu.memory_space<vmem>>) target_semaphore(%arg9 : memref<!tpu.dma_semaphore, #tpu.memory_space<semaphore_mem>>)
      }
      %scan3A_74 = arith.constant 25 : i32
      %dma_wait3A_75 = arith.constant 0 : i32
      %dma_wait3A_76 = arith.constant 1 : i32
      %dma_wait3A_77 = arith.constant 0 : i32
      %dma_wait3A_78 = tpu.memref_slice %arg5[%dma_wait3A_76, %dma_wait3A_77] : memref<2x400xi32, #tpu.memory_space<vmem>> -> memref<1x400xi32, #tpu.memory_space<vmem>>
      %dma_wait3A_79 = tpu.memref_squeeze %dma_wait3A_78 : memref<1x400xi32, #tpu.memory_space<vmem>> -> memref<400xi32, #tpu.memory_space<vmem>>
      %dma_wait3A_80 = arith.constant 0 : i32
      %dma_wait3A_81 = tpu.memref_slice %arg3[%add3A, %dma_wait3A_75, %dma_wait3A_80] : memref<32x64x400xi32, #tpu.memory_space<hbm>> -> memref<1x1x400xi32, #tpu.memory_space<hbm>>
      %dma_wait3A_82 = tpu.memref_squeeze %dma_wait3A_81 : memref<1x1x400xi32, #tpu.memory_space<hbm>> -> memref<400xi32, #tpu.memory_space<hbm>>
      %dma_wait3A_83 = arith.constant 0 : i32
      %dma_wait3A_84 = tpu.memref_slice %arg5[%dma_wait3A_76, %dma_wait3A_83] : memref<2x400xi32, #tpu.memory_space<vmem>> -> memref<1x400xi32, #tpu.memory_space<vmem>>
      %dma_wait3A_85 = tpu.memref_squeeze %dma_wait3A_84 : memref<1x400xi32, #tpu.memory_space<vmem>> -> memref<400xi32, #tpu.memory_space<vmem>>
      %dma_wait3A_86 = arith.constant 0 : i32
      %dma_wait3A_87 = tpu.memref_slice %arg3[%add3A, %dma_wait3A_75, %dma_wait3A_86] : memref<32x64x400xi32, #tpu.memory_space<hbm>> -> memref<1x1x400xi32, #tpu.memory_space<hbm>>
      %dma_wait3A_88 = tpu.memref_squeeze %dma_wait3A_87 : memref<1x1x400xi32, #tpu.memory_space<hbm>> -> memref<400xi32, #tpu.memory_space<hbm>>
      tpu.wait_dma2 semaphore(%arg8 : memref<!tpu.dma_semaphore, #tpu.memory_space<semaphore_mem>>) src(%dma_wait3A_88 : memref<400xi32, #tpu.memory_space<hbm>>) dst(%dma_wait3A_85 : memref<400xi32, #tpu.memory_space<vmem>>)
      %gt3A_89 = arith.constant 0 : i32
      %gt3A_90 = arith.cmpi sgt, %add3A_53, %gt3A_89 : i32
      %convert_element_type3A_91 = arith.extui %gt3A_90 : i1 to i32
      %cond3A_92 = arith.constant 0 : i32
      %cond3A_93 = arith.cmpi ne, %convert_element_type3A_91, %cond3A_92 : i32
      scf.if %cond3A_93 {
        %dma_wait3A_143 = tpu.memref_reshape %arg7 : memref<400x32xf32, #tpu.memory_space<vmem>> -> memref<8x50x32xf32, #tpu.memory_space<vmem>>
        %dma_wait3A_144 = arith.constant 0 : i32
        %dma_wait3A_145 = arith.constant 0 : i32
        %dma_wait3A_146 = tpu.memref_slice %arg4[%mul3A_2, %dma_wait3A_144, %dma_wait3A_145] : memref<16384x50x32xf32, #tpu.memory_space<hbm>> -> memref<8x50x32xf32, #tpu.memory_space<hbm>>
        %dma_wait3A_147 = arith.constant 0 : i32
        %dma_wait3A_148 = arith.constant 0 : i32
        %dma_wait3A_149 = tpu.memref_slice %arg4[%mul3A_2, %dma_wait3A_147, %dma_wait3A_148] : memref<16384x50x32xf32, #tpu.memory_space<hbm>> -> memref<8x50x32xf32, #tpu.memory_space<hbm>>
        %dma_wait3A_150 = tpu.memref_reshape %arg7 : memref<400x32xf32, #tpu.memory_space<vmem>> -> memref<8x50x32xf32, #tpu.memory_space<vmem>>
        tpu.wait_dma2 semaphore(%arg12 : memref<!tpu.dma_semaphore, #tpu.memory_space<semaphore_mem>>) src(%dma_wait3A_150 : memref<8x50x32xf32, #tpu.memory_space<vmem>>) dst(%dma_wait3A_149 : memref<8x50x32xf32, #tpu.memory_space<hbm>>)
      } else {
      }
      %scan3A_94 = arith.constant 0 : i32
      %scan3A_95 = arith.constant 25 : i32
      %scan3A_96 = arith.addi %scan3A_94, %scan3A_95 : i32
      %scan3A_97 = arith.constant 1 : i32
      scf.for %scan3A_143 = %scan3A_94 to %scan3A_96 step %scan3A_97  : i32 {
        %mul3A_144 = arith.constant 16 : i32
        %mul3A_145 = arith.muli %scan3A_143, %mul3A_144 : i32
        %add3A_146 = arith.constant 0 : i32
        %add3A_147 = arith.addi %add3A_146, %mul3A_145 : i32
        %get3A = arith.constant 1 : i32
        %get3A_148 = arith.index_cast %get3A : i32 to index
        %get3A_149 = arith.index_cast %add3A_147 : i32 to index
        %get3A_150 = tpu.vector_load %arg5[%get3A_148, %get3A_149] {strides = array<i32>} : memref<2x400xi32, #tpu.memory_space<vmem>>, vector<1x16xi32>,
        %get3A_151 = vector.shape_cast %get3A_150 : vector<1x16xi32> to vector<16xi32>
        %slice3A = vector.extract_strided_slice %get3A_151 {offsets = [0], sizes = [1], strides = [1]} : vector<16xi32> to vector<1xi32>
        %squeeze3A = vector.extract %slice3A[0] : i32 from vector<1xi32>
        %add3A_152 = arith.constant 0 : i32
        %add3A_153 = arith.addi %add3A_147, %add3A_152 : i32
        %dma_start3A_154 = arith.constant 0 : i32
        %dma_start3A_155 = tpu.memref_slice %arg7[%add3A_153, %dma_start3A_154] : memref<400x32xf32, #tpu.memory_space<vmem>> -> memref<1x32xf32, #tpu.memory_space<vmem>>
        %dma_start3A_156 = arith.constant 0 : i32
        %dma_start3A_157 = tpu.memref_slice %arg2[%squeeze3A, %dma_start3A_156] : memref<1000000x32xf32, #tpu.memory_space<hbm>> -> memref<1x32xf32, #tpu.memory_space<hbm>>
        %dma_start3A_158 = arith.constant 0 : i32
        %dma_start3A_159 = tpu.memref_slice %arg7[%add3A_153, %dma_start3A_158] : memref<400x32xf32, #tpu.memory_space<vmem>> -> memref<1x32xf32, #tpu.memory_space<vmem>>
        %dma_start3A_160 = arith.constant 0 : i32
        %dma_start3A_161 = tpu.memref_slice %arg2[%squeeze3A, %dma_start3A_160] : memref<1000000x32xf32, #tpu.memory_space<hbm>> -> memref<1x32xf32, #tpu.memory_space<hbm>>
        tpu.enqueue_dma source(%dma_start3A_161 : memref<1x32xf32, #tpu.memory_space<hbm>>) target(%dma_start3A_159 : memref<1x32xf32, #tpu.memory_space<vmem>>) target_semaphore(%arg10 : memref<!tpu.dma_semaphore, #tpu.memory_space<semaphore_mem>>)
        %slice3A_162 = vector.extract_strided_slice %get3A_151 {offsets = [1], sizes = [1], strides = [1]} : vector<16xi32> to vector<1xi32>
        %squeeze3A_163 = vector.extract %slice3A_162[0] : i32 from vector<1xi32>
        %add3A_164 = arith.constant 1 : i32
        %add3A_165 = arith.addi %add3A_147, %add3A_164 : i32
        %dma_start3A_166 = arith.constant 0 : i32
        %dma_start3A_167 = tpu.memref_slice %arg7[%add3A_165, %dma_start3A_166] : memref<400x32xf32, #tpu.memory_space<vmem>> -> memref<1x32xf32, #tpu.memory_space<vmem>>
        %dma_start3A_168 = arith.constant 0 : i32
        %dma_start3A_169 = tpu.memref_slice %arg2[%squeeze3A_163, %dma_start3A_168] : memref<1000000x32xf32, #tpu.memory_space<hbm>> -> memref<1x32xf32, #tpu.memory_space<hbm>>
        %dma_start3A_170 = arith.constant 0 : i32
        %dma_start3A_171 = tpu.memref_slice %arg7[%add3A_165, %dma_start3A_170] : memref<400x32xf32, #tpu.memory_space<vmem>> -> memref<1x32xf32, #tpu.memory_space<vmem>>
        %dma_start3A_172 = arith.constant 0 : i32
        %dma_start3A_173 = tpu.memref_slice %arg2[%squeeze3A_163, %dma_start3A_172] : memref<1000000x32xf32, #tpu.memory_space<hbm>> -> memref<1x32xf32, #tpu.memory_space<hbm>>
        tpu.enqueue_dma source(%dma_start3A_173 : memref<1x32xf32, #tpu.memory_space<hbm>>) target(%dma_start3A_171 : memref<1x32xf32, #tpu.memory_space<vmem>>) target_semaphore(%arg10 : memref<!tpu.dma_semaphore, #tpu.memory_space<semaphore_mem>>)
        %slice3A_174 = vector.extract_strided_slice %get3A_151 {offsets = [2], sizes = [1], strides = [1]} : vector<16xi32> to vector<1xi32>
        %squeeze3A_175 = vector.extract %slice3A_174[0] : i32 from vector<1xi32>
        %add3A_176 = arith.constant 2 : i32
        %add3A_177 = arith.addi %add3A_147, %add3A_176 : i32
        %dma_start3A_178 = arith.constant 0 : i32
        %dma_start3A_179 = tpu.memref_slice %arg7[%add3A_177, %dma_start3A_178] : memref<400x32xf32, #tpu.memory_space<vmem>> -> memref<1x32xf32, #tpu.memory_space<vmem>>
        %dma_start3A_180 = arith.constant 0 : i32
        %dma_start3A_181 = tpu.memref_slice %arg2[%squeeze3A_175, %dma_start3A_180] : memref<1000000x32xf32, #tpu.memory_space<hbm>> -> memref<1x32xf32, #tpu.memory_space<hbm>>
        %dma_start3A_182 = arith.constant 0 : i32
        %dma_start3A_183 = tpu.memref_slice %arg7[%add3A_177, %dma_start3A_182] : memref<400x32xf32, #tpu.memory_space<vmem>> -> memref<1x32xf32, #tpu.memory_space<vmem>>
        %dma_start3A_184 = arith.constant 0 : i32
        %dma_start3A_185 = tpu.memref_slice %arg2[%squeeze3A_175, %dma_start3A_184] : memref<1000000x32xf32, #tpu.memory_space<hbm>> -> memref<1x32xf32, #tpu.memory_space<hbm>>
        tpu.enqueue_dma source(%dma_start3A_185 : memref<1x32xf32, #tpu.memory_space<hbm>>) target(%dma_start3A_183 : memref<1x32xf32, #tpu.memory_space<vmem>>) target_semaphore(%arg10 : memref<!tpu.dma_semaphore, #tpu.memory_space<semaphore_mem>>)
        %slice3A_186 = vector.extract_strided_slice %get3A_151 {offsets = [3], sizes = [1], strides = [1]} : vector<16xi32> to vector<1xi32>
        %squeeze3A_187 = vector.extract %slice3A_186[0] : i32 from vector<1xi32>
        %add3A_188 = arith.constant 3 : i32
        %add3A_189 = arith.addi %add3A_147, %add3A_188 : i32
        %dma_start3A_190 = arith.constant 0 : i32
        %dma_start3A_191 = tpu.memref_slice %arg7[%add3A_189, %dma_start3A_190] : memref<400x32xf32, #tpu.memory_space<vmem>> -> memref<1x32xf32, #tpu.memory_space<vmem>>
        %dma_start3A_192 = arith.constant 0 : i32
        %dma_start3A_193 = tpu.memref_slice %arg2[%squeeze3A_187, %dma_start3A_192] : memref<1000000x32xf32, #tpu.memory_space<hbm>> -> memref<1x32xf32, #tpu.memory_space<hbm>>
        %dma_start3A_194 = arith.constant 0 : i32
        %dma_start3A_195 = tpu.memref_slice %arg7[%add3A_189, %dma_start3A_194] : memref<400x32xf32, #tpu.memory_space<vmem>> -> memref<1x32xf32, #tpu.memory_space<vmem>>
        %dma_start3A_196 = arith.constant 0 : i32
        %dma_start3A_197 = tpu.memref_slice %arg2[%squeeze3A_187, %dma_start3A_196] : memref<1000000x32xf32, #tpu.memory_space<hbm>> -> memref<1x32xf32, #tpu.memory_space<hbm>>
        tpu.enqueue_dma source(%dma_start3A_197 : memref<1x32xf32, #tpu.memory_space<hbm>>) target(%dma_start3A_195 : memref<1x32xf32, #tpu.memory_space<vmem>>) target_semaphore(%arg10 : memref<!tpu.dma_semaphore, #tpu.memory_space<semaphore_mem>>)
        %slice3A_198 = vector.extract_strided_slice %get3A_151 {offsets = [4], sizes = [1], strides = [1]} : vector<16xi32> to vector<1xi32>
        %squeeze3A_199 = vector.extract %slice3A_198[0] : i32 from vector<1xi32>
        %add3A_200 = arith.constant 4 : i32
        %add3A_201 = arith.addi %add3A_147, %add3A_200 : i32
        %dma_start3A_202 = arith.constant 0 : i32
        %dma_start3A_203 = tpu.memref_slice %arg7[%add3A_201, %dma_start3A_202] : memref<400x32xf32, #tpu.memory_space<vmem>> -> memref<1x32xf32, #tpu.memory_space<vmem>>
        %dma_start3A_204 = arith.constant 0 : i32
        %dma_start3A_205 = tpu.memref_slice %arg2[%squeeze3A_199, %dma_start3A_204] : memref<1000000x32xf32, #tpu.memory_space<hbm>> -> memref<1x32xf32, #tpu.memory_space<hbm>>
        %dma_start3A_206 = arith.constant 0 : i32
        %dma_start3A_207 = tpu.memref_slice %arg7[%add3A_201, %dma_start3A_206] : memref<400x32xf32, #tpu.memory_space<vmem>> -> memref<1x32xf32, #tpu.memory_space<vmem>>
        %dma_start3A_208 = arith.constant 0 : i32
        %dma_start3A_209 = tpu.memref_slice %arg2[%squeeze3A_199, %dma_start3A_208] : memref<1000000x32xf32, #tpu.memory_space<hbm>> -> memref<1x32xf32, #tpu.memory_space<hbm>>
        tpu.enqueue_dma source(%dma_start3A_209 : memref<1x32xf32, #tpu.memory_space<hbm>>) target(%dma_start3A_207 : memref<1x32xf32, #tpu.memory_space<vmem>>) target_semaphore(%arg10 : memref<!tpu.dma_semaphore, #tpu.memory_space<semaphore_mem>>)
        %slice3A_210 = vector.extract_strided_slice %get3A_151 {offsets = [5], sizes = [1], strides = [1]} : vector<16xi32> to vector<1xi32>
        %squeeze3A_211 = vector.extract %slice3A_210[0] : i32 from vector<1xi32>
        %add3A_212 = arith.constant 5 : i32
        %add3A_213 = arith.addi %add3A_147, %add3A_212 : i32
        %dma_start3A_214 = arith.constant 0 : i32
        %dma_start3A_215 = tpu.memref_slice %arg7[%add3A_213, %dma_start3A_214] : memref<400x32xf32, #tpu.memory_space<vmem>> -> memref<1x32xf32, #tpu.memory_space<vmem>>
        %dma_start3A_216 = arith.constant 0 : i32
        %dma_start3A_217 = tpu.memref_slice %arg2[%squeeze3A_211, %dma_start3A_216] : memref<1000000x32xf32, #tpu.memory_space<hbm>> -> memref<1x32xf32, #tpu.memory_space<hbm>>
        %dma_start3A_218 = arith.constant 0 : i32
        %dma_start3A_219 = tpu.memref_slice %arg7[%add3A_213, %dma_start3A_218] : memref<400x32xf32, #tpu.memory_space<vmem>> -> memref<1x32xf32, #tpu.memory_space<vmem>>
        %dma_start3A_220 = arith.constant 0 : i32
        %dma_start3A_221 = tpu.memref_slice %arg2[%squeeze3A_211, %dma_start3A_220] : memref<1000000x32xf32, #tpu.memory_space<hbm>> -> memref<1x32xf32, #tpu.memory_space<hbm>>
        tpu.enqueue_dma source(%dma_start3A_221 : memref<1x32xf32, #tpu.memory_space<hbm>>) target(%dma_start3A_219 : memref<1x32xf32, #tpu.memory_space<vmem>>) target_semaphore(%arg10 : memref<!tpu.dma_semaphore, #tpu.memory_space<semaphore_mem>>)
        %slice3A_222 = vector.extract_strided_slice %get3A_151 {offsets = [6], sizes = [1], strides = [1]} : vector<16xi32> to vector<1xi32>
        %squeeze3A_223 = vector.extract %slice3A_222[0] : i32 from vector<1xi32>
        %add3A_224 = arith.constant 6 : i32
        %add3A_225 = arith.addi %add3A_147, %add3A_224 : i32
        %dma_start3A_226 = arith.constant 0 : i32
        %dma_start3A_227 = tpu.memref_slice %arg7[%add3A_225, %dma_start3A_226] : memref<400x32xf32, #tpu.memory_space<vmem>> -> memref<1x32xf32, #tpu.memory_space<vmem>>
        %dma_start3A_228 = arith.constant 0 : i32
        %dma_start3A_229 = tpu.memref_slice %arg2[%squeeze3A_223, %dma_start3A_228] : memref<1000000x32xf32, #tpu.memory_space<hbm>> -> memref<1x32xf32, #tpu.memory_space<hbm>>
        %dma_start3A_230 = arith.constant 0 : i32
        %dma_start3A_231 = tpu.memref_slice %arg7[%add3A_225, %dma_start3A_230] : memref<400x32xf32, #tpu.memory_space<vmem>> -> memref<1x32xf32, #tpu.memory_space<vmem>>
        %dma_start3A_232 = arith.constant 0 : i32
        %dma_start3A_233 = tpu.memref_slice %arg2[%squeeze3A_223, %dma_start3A_232] : memref<1000000x32xf32, #tpu.memory_space<hbm>> -> memref<1x32xf32, #tpu.memory_space<hbm>>
        tpu.enqueue_dma source(%dma_start3A_233 : memref<1x32xf32, #tpu.memory_space<hbm>>) target(%dma_start3A_231 : memref<1x32xf32, #tpu.memory_space<vmem>>) target_semaphore(%arg10 : memref<!tpu.dma_semaphore, #tpu.memory_space<semaphore_mem>>)
        %slice3A_234 = vector.extract_strided_slice %get3A_151 {offsets = [7], sizes = [1], strides = [1]} : vector<16xi32> to vector<1xi32>
        %squeeze3A_235 = vector.extract %slice3A_234[0] : i32 from vector<1xi32>
        %add3A_236 = arith.constant 7 : i32
        %add3A_237 = arith.addi %add3A_147, %add3A_236 : i32
        %dma_start3A_238 = arith.constant 0 : i32
        %dma_start3A_239 = tpu.memref_slice %arg7[%add3A_237, %dma_start3A_238] : memref<400x32xf32, #tpu.memory_space<vmem>> -> memref<1x32xf32, #tpu.memory_space<vmem>>
        %dma_start3A_240 = arith.constant 0 : i32
        %dma_start3A_241 = tpu.memref_slice %arg2[%squeeze3A_235, %dma_start3A_240] : memref<1000000x32xf32, #tpu.memory_space<hbm>> -> memref<1x32xf32, #tpu.memory_space<hbm>>
        %dma_start3A_242 = arith.constant 0 : i32
        %dma_start3A_243 = tpu.memref_slice %arg7[%add3A_237, %dma_start3A_242] : memref<400x32xf32, #tpu.memory_space<vmem>> -> memref<1x32xf32, #tpu.memory_space<vmem>>
        %dma_start3A_244 = arith.constant 0 : i32
        %dma_start3A_245 = tpu.memref_slice %arg2[%squeeze3A_235, %dma_start3A_244] : memref<1000000x32xf32, #tpu.memory_space<hbm>> -> memref<1x32xf32, #tpu.memory_space<hbm>>
        tpu.enqueue_dma source(%dma_start3A_245 : memref<1x32xf32, #tpu.memory_space<hbm>>) target(%dma_start3A_243 : memref<1x32xf32, #tpu.memory_space<vmem>>) target_semaphore(%arg10 : memref<!tpu.dma_semaphore, #tpu.memory_space<semaphore_mem>>)
        %slice3A_246 = vector.extract_strided_slice %get3A_151 {offsets = [8], sizes = [1], strides = [1]} : vector<16xi32> to vector<1xi32>
        %squeeze3A_247 = vector.extract %slice3A_246[0] : i32 from vector<1xi32>
        %add3A_248 = arith.constant 8 : i32
        %add3A_249 = arith.addi %add3A_147, %add3A_248 : i32
        %dma_start3A_250 = arith.constant 0 : i32
        %dma_start3A_251 = tpu.memref_slice %arg7[%add3A_249, %dma_start3A_250] : memref<400x32xf32, #tpu.memory_space<vmem>> -> memref<1x32xf32, #tpu.memory_space<vmem>>
        %dma_start3A_252 = arith.constant 0 : i32
        %dma_start3A_253 = tpu.memref_slice %arg2[%squeeze3A_247, %dma_start3A_252] : memref<1000000x32xf32, #tpu.memory_space<hbm>> -> memref<1x32xf32, #tpu.memory_space<hbm>>
        %dma_start3A_254 = arith.constant 0 : i32
        %dma_start3A_255 = tpu.memref_slice %arg7[%add3A_249, %dma_start3A_254] : memref<400x32xf32, #tpu.memory_space<vmem>> -> memref<1x32xf32, #tpu.memory_space<vmem>>
        %dma_start3A_256 = arith.constant 0 : i32
        %dma_start3A_257 = tpu.memref_slice %arg2[%squeeze3A_247, %dma_start3A_256] : memref<1000000x32xf32, #tpu.memory_space<hbm>> -> memref<1x32xf32, #tpu.memory_space<hbm>>
        tpu.enqueue_dma source(%dma_start3A_257 : memref<1x32xf32, #tpu.memory_space<hbm>>) target(%dma_start3A_255 : memref<1x32xf32, #tpu.memory_space<vmem>>) target_semaphore(%arg10 : memref<!tpu.dma_semaphore, #tpu.memory_space<semaphore_mem>>)
        %slice3A_258 = vector.extract_strided_slice %get3A_151 {offsets = [9], sizes = [1], strides = [1]} : vector<16xi32> to vector<1xi32>
        %squeeze3A_259 = vector.extract %slice3A_258[0] : i32 from vector<1xi32>
        %add3A_260 = arith.constant 9 : i32
        %add3A_261 = arith.addi %add3A_147, %add3A_260 : i32
        %dma_start3A_262 = arith.constant 0 : i32
        %dma_start3A_263 = tpu.memref_slice %arg7[%add3A_261, %dma_start3A_262] : memref<400x32xf32, #tpu.memory_space<vmem>> -> memref<1x32xf32, #tpu.memory_space<vmem>>
        %dma_start3A_264 = arith.constant 0 : i32
        %dma_start3A_265 = tpu.memref_slice %arg2[%squeeze3A_259, %dma_start3A_264] : memref<1000000x32xf32, #tpu.memory_space<hbm>> -> memref<1x32xf32, #tpu.memory_space<hbm>>
        %dma_start3A_266 = arith.constant 0 : i32
        %dma_start3A_267 = tpu.memref_slice %arg7[%add3A_261, %dma_start3A_266] : memref<400x32xf32, #tpu.memory_space<vmem>> -> memref<1x32xf32, #tpu.memory_space<vmem>>
        %dma_start3A_268 = arith.constant 0 : i32
        %dma_start3A_269 = tpu.memref_slice %arg2[%squeeze3A_259, %dma_start3A_268] : memref<1000000x32xf32, #tpu.memory_space<hbm>> -> memref<1x32xf32, #tpu.memory_space<hbm>>
        tpu.enqueue_dma source(%dma_start3A_269 : memref<1x32xf32, #tpu.memory_space<hbm>>) target(%dma_start3A_267 : memref<1x32xf32, #tpu.memory_space<vmem>>) target_semaphore(%arg10 : memref<!tpu.dma_semaphore, #tpu.memory_space<semaphore_mem>>)
        %slice3A_270 = vector.extract_strided_slice %get3A_151 {offsets = [10], sizes = [1], strides = [1]} : vector<16xi32> to vector<1xi32>
        %squeeze3A_271 = vector.extract %slice3A_270[0] : i32 from vector<1xi32>
        %add3A_272 = arith.constant 10 : i32
        %add3A_273 = arith.addi %add3A_147, %add3A_272 : i32
        %dma_start3A_274 = arith.constant 0 : i32
        %dma_start3A_275 = tpu.memref_slice %arg7[%add3A_273, %dma_start3A_274] : memref<400x32xf32, #tpu.memory_space<vmem>> -> memref<1x32xf32, #tpu.memory_space<vmem>>
        %dma_start3A_276 = arith.constant 0 : i32
        %dma_start3A_277 = tpu.memref_slice %arg2[%squeeze3A_271, %dma_start3A_276] : memref<1000000x32xf32, #tpu.memory_space<hbm>> -> memref<1x32xf32, #tpu.memory_space<hbm>>
        %dma_start3A_278 = arith.constant 0 : i32
        %dma_start3A_279 = tpu.memref_slice %arg7[%add3A_273, %dma_start3A_278] : memref<400x32xf32, #tpu.memory_space<vmem>> -> memref<1x32xf32, #tpu.memory_space<vmem>>
        %dma_start3A_280 = arith.constant 0 : i32
        %dma_start3A_281 = tpu.memref_slice %arg2[%squeeze3A_271, %dma_start3A_280] : memref<1000000x32xf32, #tpu.memory_space<hbm>> -> memref<1x32xf32, #tpu.memory_space<hbm>>
        tpu.enqueue_dma source(%dma_start3A_281 : memref<1x32xf32, #tpu.memory_space<hbm>>) target(%dma_start3A_279 : memref<1x32xf32, #tpu.memory_space<vmem>>) target_semaphore(%arg10 : memref<!tpu.dma_semaphore, #tpu.memory_space<semaphore_mem>>)
        %slice3A_282 = vector.extract_strided_slice %get3A_151 {offsets = [11], sizes = [1], strides = [1]} : vector<16xi32> to vector<1xi32>
        %squeeze3A_283 = vector.extract %slice3A_282[0] : i32 from vector<1xi32>
        %add3A_284 = arith.constant 11 : i32
        %add3A_285 = arith.addi %add3A_147, %add3A_284 : i32
        %dma_start3A_286 = arith.constant 0 : i32
        %dma_start3A_287 = tpu.memref_slice %arg7[%add3A_285, %dma_start3A_286] : memref<400x32xf32, #tpu.memory_space<vmem>> -> memref<1x32xf32, #tpu.memory_space<vmem>>
        %dma_start3A_288 = arith.constant 0 : i32
        %dma_start3A_289 = tpu.memref_slice %arg2[%squeeze3A_283, %dma_start3A_288] : memref<1000000x32xf32, #tpu.memory_space<hbm>> -> memref<1x32xf32, #tpu.memory_space<hbm>>
        %dma_start3A_290 = arith.constant 0 : i32
        %dma_start3A_291 = tpu.memref_slice %arg7[%add3A_285, %dma_start3A_290] : memref<400x32xf32, #tpu.memory_space<vmem>> -> memref<1x32xf32, #tpu.memory_space<vmem>>
        %dma_start3A_292 = arith.constant 0 : i32
        %dma_start3A_293 = tpu.memref_slice %arg2[%squeeze3A_283, %dma_start3A_292] : memref<1000000x32xf32, #tpu.memory_space<hbm>> -> memref<1x32xf32, #tpu.memory_space<hbm>>
        tpu.enqueue_dma source(%dma_start3A_293 : memref<1x32xf32, #tpu.memory_space<hbm>>) target(%dma_start3A_291 : memref<1x32xf32, #tpu.memory_space<vmem>>) target_semaphore(%arg10 : memref<!tpu.dma_semaphore, #tpu.memory_space<semaphore_mem>>)
        %slice3A_294 = vector.extract_strided_slice %get3A_151 {offsets = [12], sizes = [1], strides = [1]} : vector<16xi32> to vector<1xi32>
        %squeeze3A_295 = vector.extract %slice3A_294[0] : i32 from vector<1xi32>
        %add3A_296 = arith.constant 12 : i32
        %add3A_297 = arith.addi %add3A_147, %add3A_296 : i32
        %dma_start3A_298 = arith.constant 0 : i32
        %dma_start3A_299 = tpu.memref_slice %arg7[%add3A_297, %dma_start3A_298] : memref<400x32xf32, #tpu.memory_space<vmem>> -> memref<1x32xf32, #tpu.memory_space<vmem>>
        %dma_start3A_300 = arith.constant 0 : i32
        %dma_start3A_301 = tpu.memref_slice %arg2[%squeeze3A_295, %dma_start3A_300] : memref<1000000x32xf32, #tpu.memory_space<hbm>> -> memref<1x32xf32, #tpu.memory_space<hbm>>
        %dma_start3A_302 = arith.constant 0 : i32
        %dma_start3A_303 = tpu.memref_slice %arg7[%add3A_297, %dma_start3A_302] : memref<400x32xf32, #tpu.memory_space<vmem>> -> memref<1x32xf32, #tpu.memory_space<vmem>>
        %dma_start3A_304 = arith.constant 0 : i32
        %dma_start3A_305 = tpu.memref_slice %arg2[%squeeze3A_295, %dma_start3A_304] : memref<1000000x32xf32, #tpu.memory_space<hbm>> -> memref<1x32xf32, #tpu.memory_space<hbm>>
        tpu.enqueue_dma source(%dma_start3A_305 : memref<1x32xf32, #tpu.memory_space<hbm>>) target(%dma_start3A_303 : memref<1x32xf32, #tpu.memory_space<vmem>>) target_semaphore(%arg10 : memref<!tpu.dma_semaphore, #tpu.memory_space<semaphore_mem>>)
        %slice3A_306 = vector.extract_strided_slice %get3A_151 {offsets = [13], sizes = [1], strides = [1]} : vector<16xi32> to vector<1xi32>
        %squeeze3A_307 = vector.extract %slice3A_306[0] : i32 from vector<1xi32>
        %add3A_308 = arith.constant 13 : i32
        %add3A_309 = arith.addi %add3A_147, %add3A_308 : i32
        %dma_start3A_310 = arith.constant 0 : i32
        %dma_start3A_311 = tpu.memref_slice %arg7[%add3A_309, %dma_start3A_310] : memref<400x32xf32, #tpu.memory_space<vmem>> -> memref<1x32xf32, #tpu.memory_space<vmem>>
        %dma_start3A_312 = arith.constant 0 : i32
        %dma_start3A_313 = tpu.memref_slice %arg2[%squeeze3A_307, %dma_start3A_312] : memref<1000000x32xf32, #tpu.memory_space<hbm>> -> memref<1x32xf32, #tpu.memory_space<hbm>>
        %dma_start3A_314 = arith.constant 0 : i32
        %dma_start3A_315 = tpu.memref_slice %arg7[%add3A_309, %dma_start3A_314] : memref<400x32xf32, #tpu.memory_space<vmem>> -> memref<1x32xf32, #tpu.memory_space<vmem>>
        %dma_start3A_316 = arith.constant 0 : i32
        %dma_start3A_317 = tpu.memref_slice %arg2[%squeeze3A_307, %dma_start3A_316] : memref<1000000x32xf32, #tpu.memory_space<hbm>> -> memref<1x32xf32, #tpu.memory_space<hbm>>
        tpu.enqueue_dma source(%dma_start3A_317 : memref<1x32xf32, #tpu.memory_space<hbm>>) target(%dma_start3A_315 : memref<1x32xf32, #tpu.memory_space<vmem>>) target_semaphore(%arg10 : memref<!tpu.dma_semaphore, #tpu.memory_space<semaphore_mem>>)
        %slice3A_318 = vector.extract_strided_slice %get3A_151 {offsets = [14], sizes = [1], strides = [1]} : vector<16xi32> to vector<1xi32>
        %squeeze3A_319 = vector.extract %slice3A_318[0] : i32 from vector<1xi32>
        %add3A_320 = arith.constant 14 : i32
        %add3A_321 = arith.addi %add3A_147, %add3A_320 : i32
        %dma_start3A_322 = arith.constant 0 : i32
        %dma_start3A_323 = tpu.memref_slice %arg7[%add3A_321, %dma_start3A_322] : memref<400x32xf32, #tpu.memory_space<vmem>> -> memref<1x32xf32, #tpu.memory_space<vmem>>
        %dma_start3A_324 = arith.constant 0 : i32
        %dma_start3A_325 = tpu.memref_slice %arg2[%squeeze3A_319, %dma_start3A_324] : memref<1000000x32xf32, #tpu.memory_space<hbm>> -> memref<1x32xf32, #tpu.memory_space<hbm>>
        %dma_start3A_326 = arith.constant 0 : i32
        %dma_start3A_327 = tpu.memref_slice %arg7[%add3A_321, %dma_start3A_326] : memref<400x32xf32, #tpu.memory_space<vmem>> -> memref<1x32xf32, #tpu.memory_space<vmem>>
        %dma_start3A_328 = arith.constant 0 : i32
        %dma_start3A_329 = tpu.memref_slice %arg2[%squeeze3A_319, %dma_start3A_328] : memref<1000000x32xf32, #tpu.memory_space<hbm>> -> memref<1x32xf32, #tpu.memory_space<hbm>>
        tpu.enqueue_dma source(%dma_start3A_329 : memref<1x32xf32, #tpu.memory_space<hbm>>) target(%dma_start3A_327 : memref<1x32xf32, #tpu.memory_space<vmem>>) target_semaphore(%arg10 : memref<!tpu.dma_semaphore, #tpu.memory_space<semaphore_mem>>)
        %slice3A_330 = vector.extract_strided_slice %get3A_151 {offsets = [15], sizes = [1], strides = [1]} : vector<16xi32> to vector<1xi32>
        %squeeze3A_331 = vector.extract %slice3A_330[0] : i32 from vector<1xi32>
        %add3A_332 = arith.constant 15 : i32
        %add3A_333 = arith.addi %add3A_147, %add3A_332 : i32
        %dma_start3A_334 = arith.constant 0 : i32
        %dma_start3A_335 = tpu.memref_slice %arg7[%add3A_333, %dma_start3A_334] : memref<400x32xf32, #tpu.memory_space<vmem>> -> memref<1x32xf32, #tpu.memory_space<vmem>>
        %dma_start3A_336 = arith.constant 0 : i32
        %dma_start3A_337 = tpu.memref_slice %arg2[%squeeze3A_331, %dma_start3A_336] : memref<1000000x32xf32, #tpu.memory_space<hbm>> -> memref<1x32xf32, #tpu.memory_space<hbm>>
        %dma_start3A_338 = arith.constant 0 : i32
        %dma_start3A_339 = tpu.memref_slice %arg7[%add3A_333, %dma_start3A_338] : memref<400x32xf32, #tpu.memory_space<vmem>> -> memref<1x32xf32, #tpu.memory_space<vmem>>
        %dma_start3A_340 = arith.constant 0 : i32
        %dma_start3A_341 = tpu.memref_slice %arg2[%squeeze3A_331, %dma_start3A_340] : memref<1000000x32xf32, #tpu.memory_space<hbm>> -> memref<1x32xf32, #tpu.memory_space<hbm>>
        tpu.enqueue_dma source(%dma_start3A_341 : memref<1x32xf32, #tpu.memory_space<hbm>>) target(%dma_start3A_339 : memref<1x32xf32, #tpu.memory_space<vmem>>) target_semaphore(%arg10 : memref<!tpu.dma_semaphore, #tpu.memory_space<semaphore_mem>>)
      }
      %scan3A_98 = arith.constant 25 : i32
      %dma_wait3A_99 = arith.constant 0 : i32
      %dma_wait3A_100 = arith.constant 0 : i32
      %dma_wait3A_101 = tpu.memref_slice %arg2[%dma_wait3A_99, %dma_wait3A_100] : memref<1000000x32xf32, #tpu.memory_space<hbm>> -> memref<400x32xf32, #tpu.memory_space<hbm>>
      %dma_wait3A_102 = arith.constant 0 : i32
      %dma_wait3A_103 = arith.constant 0 : i32
      %dma_wait3A_104 = tpu.memref_slice %arg2[%dma_wait3A_102, %dma_wait3A_103] : memref<1000000x32xf32, #tpu.memory_space<hbm>> -> memref<400x32xf32, #tpu.memory_space<hbm>>
      tpu.wait_dma2 semaphore(%arg9 : memref<!tpu.dma_semaphore, #tpu.memory_space<semaphore_mem>>) src(%dma_wait3A_104 : memref<400x32xf32, #tpu.memory_space<hbm>>) dst(%arg6 : memref<400x32xf32, #tpu.memory_space<vmem>>)
      %add3A_105 = arith.constant 0 : i32
      %add3A_106 = arith.addi %add3A_53, %add3A_105 : i32
      %mul3A_107 = arith.constant 8 : i32
      %mul3A_108 = arith.muli %add3A_106, %mul3A_107 : i32
      %add3A_109 = arith.addi %mul3A_2, %mul3A_108 : i32
      %dma_start3A_110 = tpu.memref_reshape %arg6 : memref<400x32xf32, #tpu.memory_space<vmem>> -> memref<8x50x32xf32, #tpu.memory_space<vmem>>
      %dma_start3A_111 = arith.constant 0 : i32
      %dma_start3A_112 = arith.constant 0 : i32
      %dma_start3A_113 = tpu.memref_slice %arg4[%add3A_109, %dma_start3A_111, %dma_start3A_112] : memref<16384x50x32xf32, #tpu.memory_space<hbm>> -> memref<8x50x32xf32, #tpu.memory_space<hbm>>
      %dma_start3A_114 = arith.constant 0 : i32
      %dma_start3A_115 = arith.constant 0 : i32
      %dma_start3A_116 = tpu.memref_slice %arg4[%add3A_109, %dma_start3A_114, %dma_start3A_115] : memref<16384x50x32xf32, #tpu.memory_space<hbm>> -> memref<8x50x32xf32, #tpu.memory_space<hbm>>
      %dma_start3A_117 = tpu.memref_reshape %arg6 : memref<400x32xf32, #tpu.memory_space<vmem>> -> memref<8x50x32xf32, #tpu.memory_space<vmem>>
      tpu.enqueue_dma source(%dma_start3A_117 : memref<8x50x32xf32, #tpu.memory_space<vmem>>) target(%dma_start3A_116 : memref<8x50x32xf32, #tpu.memory_space<hbm>>) target_semaphore(%arg11 : memref<!tpu.dma_semaphore, #tpu.memory_space<semaphore_mem>>)
      %dma_wait3A_118 = arith.constant 0 : i32
      %dma_wait3A_119 = arith.constant 0 : i32
      %dma_wait3A_120 = tpu.memref_slice %arg2[%dma_wait3A_118, %dma_wait3A_119] : memref<1000000x32xf32, #tpu.memory_space<hbm>> -> memref<400x32xf32, #tpu.memory_space<hbm>>
      %dma_wait3A_121 = arith.constant 0 : i32
      %dma_wait3A_122 = arith.constant 0 : i32
      %dma_wait3A_123 = tpu.memref_slice %arg2[%dma_wait3A_121, %dma_wait3A_122] : memref<1000000x32xf32, #tpu.memory_space<hbm>> -> memref<400x32xf32, #tpu.memory_space<hbm>>
      tpu.wait_dma2 semaphore(%arg10 : memref<!tpu.dma_semaphore, #tpu.memory_space<semaphore_mem>>) src(%dma_wait3A_123 : memref<400x32xf32, #tpu.memory_space<hbm>>) dst(%arg7 : memref<400x32xf32, #tpu.memory_space<vmem>>)
      %add3A_124 = arith.constant 1 : i32
      %add3A_125 = arith.addi %add3A_53, %add3A_124 : i32
      %mul3A_126 = arith.constant 8 : i32
      %mul3A_127 = arith.muli %add3A_125, %mul3A_126 : i32
      %add3A_128 = arith.addi %mul3A_2, %mul3A_127 : i32
      %dma_start3A_129 = tpu.memref_reshape %arg7 : memref<400x32xf32, #tpu.memory_space<vmem>> -> memref<8x50x32xf32, #tpu.memory_space<vmem>>
      %dma_start3A_130 = arith.constant 0 : i32
      %dma_start3A_131 = arith.constant 0 : i32
      %dma_start3A_132 = tpu.memref_slice %arg4[%add3A_128, %dma_start3A_130, %dma_start3A_131] : memref<16384x50x32xf32, #tpu.memory_space<hbm>> -> memref<8x50x32xf32, #tpu.memory_space<hbm>>
      %dma_start3A_133 = arith.constant 0 : i32
      %dma_start3A_134 = arith.constant 0 : i32
      %dma_start3A_135 = tpu.memref_slice %arg4[%add3A_128, %dma_start3A_133, %dma_start3A_134] : memref<16384x50x32xf32, #tpu.memory_space<hbm>> -> memref<8x50x32xf32, #tpu.memory_space<hbm>>
      %dma_start3A_136 = tpu.memref_reshape %arg7 : memref<400x32xf32, #tpu.memory_space<vmem>> -> memref<8x50x32xf32, #tpu.memory_space<vmem>>
      tpu.enqueue_dma source(%dma_start3A_136 : memref<8x50x32xf32, #tpu.memory_space<vmem>>) target(%dma_start3A_135 : memref<8x50x32xf32, #tpu.memory_space<hbm>>) target_semaphore(%arg12 : memref<!tpu.dma_semaphore, #tpu.memory_space<semaphore_mem>>)
      %add3A_137 = arith.constant 2 : i32
      %add3A_138 = arith.addi %add3A_53, %add3A_137 : i32
      %lt3A = arith.constant 64 : i32
      %lt3A_139 = arith.cmpi slt, %add3A_138, %lt3A : i32
      %convert_element_type3A_140 = arith.extui %lt3A_139 : i1 to i32
      %cond3A_141 = arith.constant 0 : i32
      %cond3A_142 = arith.cmpi ne, %convert_element_type3A_140, %cond3A_141 : i32
      scf.if %cond3A_142 {
        %add3A_143 = arith.constant 2 : i32
        %add3A_144 = arith.addi %add3A_53, %add3A_143 : i32
        %add3A_145 = arith.constant 0 : i32
        %add3A_146 = arith.addi %add3A_144, %add3A_145 : i32
        %dma_start3A_147 = arith.constant 0 : i32
        %dma_start3A_148 = arith.constant 0 : i32
        %dma_start3A_149 = tpu.memref_slice %arg5[%dma_start3A_147, %dma_start3A_148] : memref<2x400xi32, #tpu.memory_space<vmem>> -> memref<1x400xi32, #tpu.memory_space<vmem>>
        %dma_start3A_150 = tpu.memref_squeeze %dma_start3A_149 : memref<1x400xi32, #tpu.memory_space<vmem>> -> memref<400xi32, #tpu.memory_space<vmem>>
        %dma_start3A_151 = arith.constant 0 : i32
        %dma_start3A_152 = tpu.memref_slice %arg3[%add3A, %add3A_146, %dma_start3A_151] : memref<32x64x400xi32, #tpu.memory_space<hbm>> -> memref<1x1x400xi32, #tpu.memory_space<hbm>>
        %dma_start3A_153 = tpu.memref_squeeze %dma_start3A_152 : memref<1x1x400xi32, #tpu.memory_space<hbm>> -> memref<400xi32, #tpu.memory_space<hbm>>
        %dma_start3A_154 = arith.constant 0 : i32
        %dma_start3A_155 = tpu.memref_slice %arg5[%dma_start3A_147, %dma_start3A_154] : memref<2x400xi32, #tpu.memory_space<vmem>> -> memref<1x400xi32, #tpu.memory_space<vmem>>
        %dma_start3A_156 = tpu.memref_squeeze %dma_start3A_155 : memref<1x400xi32, #tpu.memory_space<vmem>> -> memref<400xi32, #tpu.memory_space<vmem>>
        %dma_start3A_157 = arith.constant 0 : i32
        %dma_start3A_158 = tpu.memref_slice %arg3[%add3A, %add3A_146, %dma_start3A_157] : memref<32x64x400xi32, #tpu.memory_space<hbm>> -> memref<1x1x400xi32, #tpu.memory_space<hbm>>
        %dma_start3A_159 = tpu.memref_squeeze %dma_start3A_158 : memref<1x1x400xi32, #tpu.memory_space<hbm>> -> memref<400xi32, #tpu.memory_space<hbm>>
        tpu.enqueue_dma source(%dma_start3A_159 : memref<400xi32, #tpu.memory_space<hbm>>) target(%dma_start3A_156 : memref<400xi32, #tpu.memory_space<vmem>>) target_semaphore(%arg8 : memref<!tpu.dma_semaphore, #tpu.memory_space<semaphore_mem>>)
        %add3A_160 = arith.constant 2 : i32
        %add3A_161 = arith.addi %add3A_53, %add3A_160 : i32
        %add3A_162 = arith.constant 1 : i32
        %add3A_163 = arith.addi %add3A_161, %add3A_162 : i32
        %dma_start3A_164 = arith.constant 1 : i32
        %dma_start3A_165 = arith.constant 0 : i32
        %dma_start3A_166 = tpu.memref_slice %arg5[%dma_start3A_164, %dma_start3A_165] : memref<2x400xi32, #tpu.memory_space<vmem>> -> memref<1x400xi32, #tpu.memory_space<vmem>>
        %dma_start3A_167 = tpu.memref_squeeze %dma_start3A_166 : memref<1x400xi32, #tpu.memory_space<vmem>> -> memref<400xi32, #tpu.memory_space<vmem>>
        %dma_start3A_168 = arith.constant 0 : i32
        %dma_start3A_169 = tpu.memref_slice %arg3[%add3A, %add3A_163, %dma_start3A_168] : memref<32x64x400xi32, #tpu.memory_space<hbm>> -> memref<1x1x400xi32, #tpu.memory_space<hbm>>
        %dma_start3A_170 = tpu.memref_squeeze %dma_start3A_169 : memref<1x1x400xi32, #tpu.memory_space<hbm>> -> memref<400xi32, #tpu.memory_space<hbm>>
        %dma_start3A_171 = arith.constant 0 : i32
        %dma_start3A_172 = tpu.memref_slice %arg5[%dma_start3A_164, %dma_start3A_171] : memref<2x400xi32, #tpu.memory_space<vmem>> -> memref<1x400xi32, #tpu.memory_space<vmem>>
        %dma_start3A_173 = tpu.memref_squeeze %dma_start3A_172 : memref<1x400xi32, #tpu.memory_space<vmem>> -> memref<400xi32, #tpu.memory_space<vmem>>
        %dma_start3A_174 = arith.constant 0 : i32
        %dma_start3A_175 = tpu.memref_slice %arg3[%add3A, %add3A_163, %dma_start3A_174] : memref<32x64x400xi32, #tpu.memory_space<hbm>> -> memref<1x1x400xi32, #tpu.memory_space<hbm>>
        %dma_start3A_176 = tpu.memref_squeeze %dma_start3A_175 : memref<1x1x400xi32, #tpu.memory_space<hbm>> -> memref<400xi32, #tpu.memory_space<hbm>>
        tpu.enqueue_dma source(%dma_start3A_176 : memref<400xi32, #tpu.memory_space<hbm>>) target(%dma_start3A_173 : memref<400xi32, #tpu.memory_space<vmem>>) target_semaphore(%arg8 : memref<!tpu.dma_semaphore, #tpu.memory_space<semaphore_mem>>)
      } else {
      }
    }
    %scan3A_33 = arith.constant 32 : i32
    %dma_wait3A = tpu.memref_reshape %arg6 : memref<400x32xf32, #tpu.memory_space<vmem>> -> memref<8x50x32xf32, #tpu.memory_space<vmem>>
    %dma_wait3A_34 = arith.constant 0 : i32
    %dma_wait3A_35 = arith.constant 0 : i32
    %dma_wait3A_36 = tpu.memref_slice %arg4[%mul3A_2, %dma_wait3A_34, %dma_wait3A_35] : memref<16384x50x32xf32, #tpu.memory_space<hbm>> -> memref<8x50x32xf32, #tpu.memory_space<hbm>>
    %dma_wait3A_37 = arith.constant 0 : i32
    %dma_wait3A_38 = arith.constant 0 : i32
    %dma_wait3A_39 = tpu.memref_slice %arg4[%mul3A_2, %dma_wait3A_37, %dma_wait3A_38] : memref<16384x50x32xf32, #tpu.memory_space<hbm>> -> memref<8x50x32xf32, #tpu.memory_space<hbm>>
    %dma_wait3A_40 = tpu.memref_reshape %arg6 : memref<400x32xf32, #tpu.memory_space<vmem>> -> memref<8x50x32xf32, #tpu.memory_space<vmem>>
    tpu.wait_dma2 semaphore(%arg11 : memref<!tpu.dma_semaphore, #tpu.memory_space<semaphore_mem>>) src(%dma_wait3A_40 : memref<8x50x32xf32, #tpu.memory_space<vmem>>) dst(%dma_wait3A_39 : memref<8x50x32xf32, #tpu.memory_space<hbm>>)
    %dma_wait3A_41 = tpu.memref_reshape %arg7 : memref<400x32xf32, #tpu.memory_space<vmem>> -> memref<8x50x32xf32, #tpu.memory_space<vmem>>
    %dma_wait3A_42 = arith.constant 0 : i32
    %dma_wait3A_43 = arith.constant 0 : i32
    %dma_wait3A_44 = tpu.memref_slice %arg4[%mul3A_2, %dma_wait3A_42, %dma_wait3A_43] : memref<16384x50x32xf32, #tpu.memory_space<hbm>> -> memref<8x50x32xf32, #tpu.memory_space<hbm>>
    %dma_wait3A_45 = arith.constant 0 : i32
    %dma_wait3A_46 = arith.constant 0 : i32
    %dma_wait3A_47 = tpu.memref_slice %arg4[%mul3A_2, %dma_wait3A_45, %dma_wait3A_46] : memref<16384x50x32xf32, #tpu.memory_space<hbm>> -> memref<8x50x32xf32, #tpu.memory_space<hbm>>
    %dma_wait3A_48 = tpu.memref_reshape %arg7 : memref<400x32xf32, #tpu.memory_space<vmem>> -> memref<8x50x32xf32, #tpu.memory_space<vmem>>
    tpu.wait_dma2 semaphore(%arg12 : memref<!tpu.dma_semaphore, #tpu.memory_space<semaphore_mem>>) src(%dma_wait3A_48 : memref<8x50x32xf32, #tpu.memory_space<vmem>>) dst(%dma_wait3A_47 : memref<8x50x32xf32, #tpu.memory_space<hbm>>)
    return
  }
}

</mosaic_0001>

<sc_bundles>
// kernel: kernel.3.cloned.1.call-start
scs
__scs_entry_jumppad:
0x0: {  	(pc) =	sbr.rel $0x88, $3  }
0x1: {  	(tag) =	ssettag $0x0;
	lr =	simm.s32 $0x1  }
0x2: {  	[smem:$0x3F9F] =	sst lr;
	_ =	strace $0xD0000000  }
0x3: {  	_ = 	snop  }
0x4: {  	_ = 	snop  }
0x5: {  	_ = 	snop  }
0x6: {  	_ = 	snop  }
0x7: {  	_ = 	snop  }
__scs_overlays_trampoline_lowered:
0x8: {  	[smem:$0x3FAE] =	sst s0  }
0x9: {  	[smem:$0x3FAF] =	sst s1  }
0xa: {  	[smem:$0x3FB0] =	sst s2  }
0xb: {  	[smem:$0x3FB1] =	sst s3  }
0xc: {  	[smem:$0x3FB2] =	sst s4  }
0xd: {  	[smem:$0x3FB3] =	sst s5  }
0xe: {  	[smem:$0x3FB4] =	sst s6  }
0xf: {  	[smem:$0x3FB5] =	sst s7  }
0x10: {  	[smem:$0x3FB6] =	sst s8  }
0x11: {  	[smem:$0x3FB7] =	sst s9;
	s0 =	simm.s32 @!p0 $0x0  }
0x12: {  	s1 =	sld [smem:$0x3F9D];
	s0 =	simm.s32 @p0 $0x1  }
0x13: {  	[smem:$0x3FB8] =	sst s0;
	s0 =	simm.s32 @!p1 $0x0  }
0x14: {  	s2 =	sld [smem:$0x3F9C];
	s0 =	simm.s32 @p1 $0x1  }
0x15: {  	[smem:$0x3FB9] =	sst s0;
	s0 =	simm.s32 @!p2 $0x0  }
0x16: {  	s3 =	sld [smem:$0x3FDB];
	s0 =	simm.s32 @p2 $0x1  }
0x17: {  	s4 =	simm.s32 $0x1BF5;
	[smem:$0x3FBB] =	sst s0  }
0x18: {  	s0 =	sld [smem:$0x3F9E];
	_ =	swait.ge [sflag:s4], $0x0  }
0x19: {  	s7 =	sld [smem:$0x3F9F]  }
0x1a: {  	s8 =	sadd.s32 $0xFFFFE003, lr  }
0x1b: {  	s9 =	sadd.s32 $0xFFFFFEF7, lr;
	s5 =	simm.s32 $0xFFFFFFFF;
	p2 =	slt.u32 s8, $0xFFFFF086  }
0x1c: {  	p1 =	slt.u32 s9, $0xF7A;
	s5 =	simm.s32 @!p2 $0x0  }
0x1d: {  	s5 =	simm.s32 @p1 $0x1;
	p0 =	seq.s32 s7, s2  }
0x1e: {  	s7 =	smul.u32 @!p0 $0xF7A, s2;
	p2 =	seq.s32 @!p0 s5, $0x0  }
0x1f: {  	s9 =	smul.u32 $0xF7A, s1;
	s8 =	simm.s32 @!p0 $0x1BF5;
	p2 =	por !p2, p0  }
0x20: {  	[sflag:s8] =	ssyncset.s32 @!p0 $0xFFFFF086;
	s6 =	sadd.s32 @!p0 s3, s7;
	s7 =	simm.s32 @!p0 $0x108  }
0x21: {  	s3 =	sadd.s32 s3, s9;
	s6 =	sadd.s32 @!p0 $0x88, s6;
	s7 =	simm.s32 @p2 $0x1082  }
0x22: {  	[simem:s7], [sflag:s8] =	dma.local @!p0 [hbm:s6], $0xF7A  }
0x23: {  	s9 =	sor.u32 $0xD0000000, s2;
	s6 =	simm.s32 $0x108;
	_ =	swait.ge @!p0 [sflag:s8], $0x0  }
0x24: {  	s3 =	sadd.s32 $0x88, s3;
	s6 =	simm.s32 @!p1 $0x1082;
	[sflag:s4] =	ssyncset.s32 $0xFFFFF086  }
0x25: {  	[simem:s6], [sflag:s4] =	dma.local [hbm:s3], $0xF7A  }
0x26: {  	[smem:$0x3F9F] =	sst s1;
	(tag) =	ssettag s2;
	_ =	strace s9  }
0x27: {  	s1 =	sld [smem:$0x3FAF]  }
0x28: {  	s2 =	sld [smem:$0x3FB0]  }
0x29: {  	s4 =	sld [smem:$0x3FB2]  }
0x2a: {  	p0 =	seq.s32 s5, $0x0;
	s5 =	sld [smem:$0x3FB3]  }
0x2b: {  	s6 =	sld [smem:$0x3FB4]  }
0x2c: {  	s7 =	sld [smem:$0x3FB5]  }
0x2d: {  	s3 =	simm.s32 $0x108;
	s8 =	sld [smem:$0x3FB6]  }
0x2e: {  	s3 =	simm.s32 @!p0 $0x1082;
	s9 =	sld [smem:$0x3FB7]  }
0x2f: {  	lr =	sadd.s32 s0, s3;
	s0 =	sld [smem:$0x3FAE]  }
0x30: {  	s3 =	sld [smem:$0x3FB1]  }
0x31: {  	[smem:$0x3FBA] =	sst s10  }
0x32: {  	s10 =	sld [smem:$0x3FB8];
	_ =	sdelay $0x3  }
0x33: {  	p0 =	seq.s32 s10, $0x1;
	s10 =	sld [smem:$0x3FBA];
	_ =	sdelay $0x3  }
0x34: {  	[smem:$0x3FBA] =	sst s10  }
0x35: {  	s10 =	sld [smem:$0x3FB9];
	_ =	sdelay $0x3  }
0x36: {  	p1 =	seq.s32 s10, $0x1;
	s10 =	sld [smem:$0x3FBA];
	_ =	sdelay $0x3  }
0x37: {  	[smem:$0x3FBA] =	sst s10  }
0x38: {  	s10 =	sld [smem:$0x3FBB]  }
0x39: {  	_ = 	snop;
	(pc) =	sbr.ind lr, $3  }
0x3a: {  	_ = 	snop  }
0x3b: {  	_ = 	snop  }
0x3c: {  	p2 =	seq.s32 s10, $0x1;
	s10 =	sld [smem:$0x3FBA]  }
0x3d: {  	_ =	shalt  }
0x3e: {  	_ =	shalt  }
0x3f: {  	_ =	shalt  }
0x40: {  	_ =	shalt  }
0x41: {  	_ =	shalt  }
0x42: {  	_ =	shalt  }
0x43: {  	_ =	shalt  }
0x44: {  	_ =	shalt  }
0x45: {  	_ =	shalt  }
0x46: {  	_ =	shalt  }
0x47: {  	_ =	shalt  }
0x48: {  	_ =	shalt  }
0x49: {  	_ =	shalt  }
0x4a: {  	_ =	shalt  }
0x4b: {  	_ =	shalt  }
0x4c: {  	_ =	shalt  }
0x4d: {  	_ =	shalt  }
0x4e: {  	_ =	shalt  }
0x4f: {  	_ =	shalt  }
0x50: {  	_ =	shalt  }
0x51: {  	_ =	shalt  }
0x52: {  	_ =	shalt  }
0x53: {  	_ =	shalt  }
0x54: {  	_ =	shalt  }
0x55: {  	_ =	shalt  }
0x56: {  	_ =	shalt  }
0x57: {  	_ =	shalt  }
0x58: {  	_ =	shalt  }
0x59: {  	_ =	shalt  }
0x5a: {  	_ =	shalt  }
0x5b: {  	_ =	shalt  }
0x5c: {  	_ =	shalt  }
0x5d: {  	_ =	shalt  }
0x5e: {  	_ =	shalt  }
0x5f: {  	_ =	shalt  }
0x60: {  	_ =	shalt  }
0x61: {  	_ =	shalt  }
0x62: {  	_ =	shalt  }
0x63: {  	_ =	shalt  }
0x64: {  	_ =	shalt  }
0x65: {  	_ =	shalt  }
0x66: {  	_ =	shalt  }
0x67: {  	_ =	shalt  }
0x68: {  	_ =	shalt  }
0x69: {  	_ =	shalt  }
0x6a: {  	_ =	shalt  }
0x6b: {  	_ =	shalt  }
0x6c: {  	_ =	shalt  }
0x6d: {  	_ =	shalt  }
0x6e: {  	_ =	shalt  }
0x6f: {  	_ =	shalt  }
0x70: {  	_ =	shalt  }
0x71: {  	_ =	shalt  }
0x72: {  	_ =	shalt  }
0x73: {  	_ =	shalt  }
0x74: {  	_ =	shalt  }
0x75: {  	_ =	shalt  }
0x76: {  	_ =	shalt  }
0x77: {  	_ =	shalt  }
0x78: {  	_ =	shalt  }
0x79: {  	_ =	shalt  }
0x7a: {  	_ =	shalt  }
0x7b: {  	_ =	shalt  }
0x7c: {  	_ =	shalt  }
0x7d: {  	_ =	shalt  }
0x7e: {  	_ =	shalt  }
0x7f: {  	_ =	shalt  }
0x80: {  	_ =	shalt  }
0x81: {  	_ =	shalt  }
0x82: {  	_ =	shalt  }
0x83: {  	_ =	shalt  }
0x84: {  	_ =	shalt  }
0x85: {  	_ =	shalt  }
0x86: {  	_ =	shalt  }
0x87: {  	_ =	shalt  }
.Lfunc_end0:
.L_simem_size_0:
called_computation_lowered:
.L_overlay_start_0:
0x88: {  	s2 =	sld [smem:$0x3FD9]  }
0x89: {  	s3 =	sld [smem:$0x3FFE];
	_ =	sdelay $0x1  }
0x8a: {  	s1 =	srdreg.scid  }
0x8b: {  	s0 =	sand.u32 $0x1, s1  }
0x8c: {  	s17 =	sshll.u32 s0, $0xA;
	s2 =	sadd.s32 s3, s2  }
0x8d: {  	s2 =	sadd.s32 s2, s17  }
0x8e: {  	[smem:$0x3FC6] =	sst s2  }
0x8f: {  	_ = 	snop  }
0x90: {  	s2 =	sld [smem:$0x3FD0];
	(tm) =	ssettm $0x1  }
0x91: {  	s18 =	sld [smem:$0x3FFB];
	_ =	sdelay $0x3  }
0x92: {  	_ =	strace s18  }
0x93: {  	s3 =	sld [smem:$0x3FFC];
	_ =	sdelay $0x3  }
0x94: {  	_ =	strace s3  }
0x95: {  	s3 =	sld [smem:$0x3FFD];
	_ =	sdelay $0x3  }
0x96: {  	_ =	strace s3  }
0x97: {  	_ =	strace $0x8FFFFFFF  }
0x98: {  	s19 =	sld [smem:$0x3FDB];
	_ =	sdelay $0x1  }
0x99: {  	s4 =	simm.s32 $_scs_section_size  }
0x9a: {  	s5 =	simm.s32 $_size__tile_overlayer_lowered;
	s6 =	simm.s32 $_tile_overlayer_lowered  }
0x9b: {  	s22 =	simm.s32 $0x1BFF;
	s21 =	sshll.u32 s6, $0x1;
	s3 =	sadd.s32 s4, s19  }
0x9c: {  	s7 =	simm.s32 $0x0;
	s20 =	sshll.u32 s5, $0x1;
	s5 =	sadd.s32 s21, s3  }
0x9d: {  	[timem:s7], [sflag:s22] =	dma.local [hbm:s5], s20  }
0x9e: {  	_ =	swait.ge [sflag:s22], s20  }
0x9f: {  	s4 =	ssub.s32 $0x0, s20;
	[sflag:s22] =	ssyncset.done $0x0  }
0xa0: {  	[sflag:s22] =	ssyncadd.s32 s4;
	_ =	sdelay $0x1  }
0xa1: {  	s23 =	simm.s32 $0x1B8B  }
0xa2: {  	_ =	swait.ge [sflag:s23], $0x1  }
0xa3: {  	[sflag:s23] =	ssyncset.done $0x0  }
0xa4: {  	s25 =	simm.s32 $0x1B8E;
	s24 =	sld [smem:$0x3FFE];
	[sflag:s23] =	ssyncadd.s32 $0xFFFFFFFF  }
0xa5: {  	s26 =	simm.s32 $execute0_lowered;
	[smem:$0x3FD2] =	sst s25  }
0xa6: {  	s5 =	sshll.u32 s26, $0x1;
	_ =	strace $0x80000046;
	[dreg:$0x1] =	wrdreg $0xFFFFFFFF  }
0xa7: {  	s28 =	simm.s32 $_size_execute0_lowered;
	s3 =	sadd.s32 s3, s5;
	[dreg:$0x0] =	wrdreg $0x0  }
0xa8: {  	s5 =	sshll.u32 s28, $0x1;
	[dreg:$0x2] =	wrdreg s3  }
0xa9: {  	[dreg:$0x3] =	wrdreg s5  }
0xaa: {  	[dreg:$0x4] =	wrdreg $0xC0  }
0xab: {  	_ =	task [dreg:s7], $0x5FFFF  }
0xac: {  	[dreg:$0x1] =	wrdreg $0xFFFFFFFF  }
0xad: {  	[dreg:$0x0] =	wrdreg $0x60  }
0xae: {  	[dreg:$0x2] =	wrdreg s24  }
0xaf: {  	[dreg:$0x3] =	wrdreg s2  }
0xb0: {  	[dreg:$0x4] =	wrdreg $0x9  }
0xb1: {  	_ =	task.clear_ibuf [dreg:s7], $0x5FFFF;
	_ =	strace $0x90000046  }
0xb2: {  	s29 =	simm.s32 $0x9;
	_ =	strace $0x80000048  }
0xb3: {  	_ =	swait.ge [sflag:s29], $0x1  }
0xb4: {  	[sflag:s29] =	ssyncadd.s32 $0xFFFFFFFF  }
0xb5: {  	_ =	strace $0x90000048  }
0xb6: {  	_ =	sfence  }
0xb7: {  	s30 =	sld [smem:$0x0];
	_ =	sdelay $0x2  }
0xb8: {  	s31 =	sshll.u32 s1, $0xD;
	s1 =	sshrl.u32 s1, $0x2  }
0xb9: {  	s3 =	sand.u32 $0x4000, s31;
	s1 =	sadd.s32 s1, s30  }
0xba: {  	s0 =	sor.u32 s3, s0;
	s1 =	sshll.u32 s1, $0x11  }
0xbb: {  	s0 =	sor.u32 s1, s0  }
0xbc: {  	s0 =	sadd.s32 $0x8F2B, s0  }
0xbd: {  	[sflag:s0] =	ssyncadd.remote.s32 $0x1  }
0xbe: {  	_ =	sfence.sel $0xFFFF  }
0xbf: {  	[dreg:$0x0] =	wrdreg $0xFFFFFFFF;
	(pc) =	sbr.abs _section_cstart, $3  }
0xc0: {  	[dreg:$0x1] =	wrdreg $0xFFFFFFFF  }
0xc1: {  	_ =	task.clear_ibuf [dreg:s7], $0x2FFFF;
	_ =	strace $0x9FFFFFFF  }
0xc2: {  	(tm) =	ssettm $0x7FFFFFFF  }
0xc3: {  	_ =	shalt  }
tec
execute0_lowered:
.L_overlay_start_1:
0x0: {  	(tag) =	ssettag $0x1  }
0x1: {  	s0 =	rddreg [dreg:$0x0]  }
0x2: {  	s5 =	rddreg [dreg:$0x1];
	s3 =	simm.s32 $0x0;
	s1 =	srdreg.scid  }
0x3: {  	s2 =	stileid.u32;
	[smem:$0x7FF] =	sst s3;
	s1 =	sand.u32 $0x1, s1  }
0x4: {  	s2 =	sshll.u32 s2, $0x1;
	s4 =	sadd.s32 $0x400, s0;
	s0 =	sadd.s32 $0xF42800, s0  }
0x5: {  	_ =	strace $0x80000047;
	s6 =	ssub.s32 $0x2, s1;
	s1 =	sor.u32 s1, s2  }
0x6: {  	[dreg:$0x3] =	wrdreg s0;
	s7 =	sshll.u32 s1, $0xC;
	s23 =	sshll.u32 s1, $0x9  }
0x7: {  	s20 =	sshrl.u32 s6, $0x1;
	s22 =	sadd.s32 s5, s7;
	[dreg:$0x5] =	wrdreg s23  }
0x8: {  	s21 =	ssub.s32 s6, s20;
	s24 =	sadd.s32 $0x10, s22;
	[dreg:$0x4] =	wrdreg s22  }
0x9: {  	s0 =	smax.u32 s21, $0x1;
	[dreg:$0x6] =	wrdreg s24  }
0xa: {  	s25 =	sadd.s32 $0x80, s22;
	[dreg:$0x7] =	wrdreg s0  }
0xb: {  	s26 =	sadd.s32 $0x100, s22;
	[dreg:$0x8] =	wrdreg s25  }
.Ltmp0:
0xc: {  	s28 =	sadd.s32 $0x180, s22;
	[dreg:$0x9] =	wrdreg s26;
	(pc) =	sbr.rel .LBB2_1-.Ltmp0, $4  }
0xd: {  	s29 =	sadd.s32 $0x90, s22;
	[dreg:$0xa] =	wrdreg s28  }
0xe: {  	s30 =	sadd.s32 $0x110, s22;
	[dreg:$0xb] =	wrdreg s29  }
0xf: {  	s2 =	simm.s32 $0x0;
	s31 =	sadd.s32 $0x190, s22;
	[dreg:$0xc] =	wrdreg s30  }
0x10: {  	s8 =	sshll.u32 s1, $0xF;
	[dreg:$0xd] =	wrdreg s31;
	s24 =	simm.s32 $0x1  }
.LBB2_8:
0x11: {  	s0 =	simm.s32 $0x4  }
0x12: {  	_ =	swait.ge [sflag:s0], $0xC800  }
0x13: {  	[sflag:s0] =	ssyncset.done $0x0  }
0x14: {  	s1 =	simm.s32 $0x5;
	[sflag:s0] =	ssyncadd.s32 $0xFFFF3800  }
0x15: {  	_ =	swait.ge [sflag:s1], $0xC800  }
0x16: {  	s2 =	rddreg [dreg:$0xe]  }
0x17: {  	s31 =	rddreg [dreg:$0x7];
	s2 =	sadd.s32 $0x1, s2  }
0x18: {  	p0 =	sne.s32 s2, s31  }
.Ltmp1:
0x19: {  	_ = 	snop;
	(pc) =	sbr.rel @!p0 .LBB2_9-.Ltmp1, $3  }
0x1a: {  	_ =	sdelay $0x1  }
0x1b: {  	[sflag:s1] =	ssyncset.done $0x0  }
0x1c: {  	[sflag:s1] =	ssyncadd.s32 $0xFFFF3800  }
.LBB2_1:
0x1d: {  	[dreg:$0xe] =	wrdreg s2  }
0x1e: {  	s0 =	rddreg [dreg:$0x4]  }
0x1f: {  	[tilespmem:s3], [sflag:$0x1] =	stream.linear.gather [hbm4b:s0+s3], $0x80, $0x38;
	[tilespmem:$0x19400] =	vst v63  }
0x20: {  	s17 =	rddreg [dreg:$0x8];
	s1 =	simm.s32 $0x100  }
0x21: {  	[tilespmem:s1], [sflag:$0x1] =	stream.linear.gather [hbm4b:s17+s3], $0x80, $0x38;
	[tilespmem:$0x19400] =	vst v63  }
0x22: {  	s18 =	rddreg [dreg:$0x9];
	s19 =	simm.s32 $0x200  }
0x23: {  	[tilespmem:s19], [sflag:$0x1] =	stream.linear.gather [hbm4b:s18+s3], $0x80, $0x38;
	[tilespmem:$0x19400] =	vst v63  }
0x24: {  	s20 =	rddreg [dreg:$0xa];
	s21 =	simm.s32 $0x300  }
0x25: {  	[tilespmem:s21], [sflag:$0x1] =	stream.linear.gather [hbm4b:s20+s3], $0x80, $0x38;
	[tilespmem:$0x19400] =	vst v63  }
0x26: {  	s22 =	rddreg [dreg:$0x6];
	s23 =	simm.s32 $0x80  }
0x27: {  	[tilespmem:s23], [sflag:$0x1] =	stream.linear.gather [hbm4b:s22+s3], $0x80, $0x38;
	[tilespmem:$0x19400] =	vst v63  }
0x28: {  	s25 =	rddreg [dreg:$0xb];
	s26 =	simm.s32 $0x180  }
0x29: {  	[tilespmem:s26], [sflag:$0x1] =	stream.linear.gather [hbm4b:s25+s3], $0x80, $0x38;
	[tilespmem:$0x19400] =	vst v63  }
0x2a: {  	s28 =	rddreg [dreg:$0xc];
	s29 =	simm.s32 $0x280  }
0x2b: {  	[tilespmem:s29], [sflag:$0x1] =	stream.linear.gather [hbm4b:s28+s3], $0x80, $0x38;
	[tilespmem:$0x19400] =	vst v63  }
0x2c: {  	s30 =	rddreg [dreg:$0xd];
	s31 =	simm.s32 $0x380;
	s10 =	simm.s32 $0x0  }
0x2d: {  	[tilespmem:s31], [sflag:$0x1] =	stream.linear.gather [hbm4b:s30+s3], $0x80, $0x38;
	[tilespmem:$0x19400] =	vst v63  }
.LBB2_2:
0x2e: {  	_ =	swait.ge [sflag:s24], $0x200  }
0x2f: {  	p0 =	seq.s32 s10, $0x0;
	[sflag:s24] =	ssyncset.done $0x0  }
0x30: {  	s0 =	simm.s32 @!p0 $0x4;
	[sflag:s24] =	ssyncadd.s32 $0xFFFFFE00  }
0x31: {  	s1 =	simm.s32 $0x0;
	_ =	swait.ge @!p0 [sflag:s0], $0xC800  }
0x32: {  	s2 =	sand.u32 $0x70, s1;
	s1 =	sand.u32 $0x300, s1;
	[sflag:s0] =	ssyncset.done @!p0 $0x0  }
0x33: {  	s23 =	sor.u32 s2, s1;
	[sflag:s0] =	ssyncadd.s32 @!p0 $0xFFFF3800  }
0x34: {  	v0 =	vld [tilespmem:s23+$0x0];
	_ =	sdelay $0x4  }
0x35: {  	v0 =	vshll.u32 v0, $0x4  }
0x36: {  	(v2sf) =	vpush v0, $0x0  }
0x37: {  	(v2sf) =	vpush v0, $0x1  }
0x38: {  	(v2sf) =	vpush v0, $0x2  }
0x39: {  	(v2sf) =	vpush v0, $0x3  }
0x3a: {  	(v2sf) =	vpush v0, $0x4;
	_ =	sdelay $0x4  }
0x3b: {  	(v2sf) =	vpush v0, $0x5;
	_ =	sdelay $0x1  }
0x3c: {  	(v2sf) =	vpush v0, $0x6  }
0x3d: {  	s11 =	sshll.u32 s10, $0x1;
	s12 =	simm.s32 $0x2000;
	(v2sf) =	vpush v0, $0x7  }
0x3e: {  	s13 =	simm.s32 $0x10;
	s14 =	simm.s32 $0x20;
	s16 =	simm.s32 $0x4000  }
0x3f: {  	s6 =	simm.s32 $0x20;
	s15 =	simm.s32 $0x0;
	s25 =	simm.s32 $0x480  }
0x40: {  	s18 =	simm.s32 $0x400;
	s17 =	simm.s32 $0x980;
	s21 =	spop (v2sf)  }
0x41: {  	s9 =	simm.s32 $0xA00;
	s20 =	simm.s32 $0x800;
	s23 =	spop (v2sf)  }
0x42: {  	s19 =	simm.s32 $0x880;
	s22 =	simm.s32 $0x500;
	s29 =	spop (v2sf)  }
0x43: {  	s28 =	sand.u32 $0x1FFFFFF0, s23;
	s23 =	sand.u32 $0x1FFFFFF0, s29;
	s29 =	spop (v2sf)  }
0x44: {  	s26 =	simm.s32 $0x580;
	s21 =	sand.u32 $0x1FFFFFF0, s21;
	s7 =	spop (v2sf);
	(v2sf) =	vpush v0, $0x8  }
0x45: {  	s1 =	simm.s32 $0xA80;
	s0 =	simm.s32 $0x40;
	s21 =	sadd.s32 s4, s21  }
0x46: {  	[tilespmem:s18], [sflag:$0x2] =	stream.linear.gather [hbm4b:s21+s3], $0x80, $0x38;
	(v2sf) =	vpush v0, $0x9;
	[tilespmem:$0x19400] =	vst v63  }
0x47: {  	s21 =	sadd.s32 s4, s28;
	s28 =	simm.s32 $0x680;
	s18 =	simm.s32 $0xB80  }
0x48: {  	[tilespmem:s25], [sflag:$0x2] =	stream.linear.gather [hbm4b:s21+s3], $0x80, $0x38;
	(v2sf) =	vpush v0, $0xA;
	[tilespmem:$0x19400] =	vst v63  }
0x49: {  	s30 =	sadd.s32 s4, s23;
	s5 =	sand.u32 $0x1FFFFFF0, s29;
	s23 =	spop (v2sf)  }
0x4a: {  	[tilespmem:s22], [sflag:$0x2] =	stream.linear.gather [hbm4b:s30+s3], $0x80, $0x38;
	(v2sf) =	vpush v0, $0xB;
	[tilespmem:$0x19400] =	vst v63  }
0x4b: {  	s21 =	sadd.s32 s4, s5;
	s25 =	simm.s32 $0x600;
	s30 =	spop (v2sf)  }
0x4c: {  	s22 =	sand.u32 $0x1FFFFFF0, s7;
	(v2sf) =	vpush v0, $0xC;
	s31 =	sand.u32 $0x1FFFFFF0, s30;
	s2 =	spop (v2sf)  }
0x4d: {  	[tilespmem:s26], [sflag:$0x2] =	stream.linear.gather [hbm4b:s21+s3], $0x80, $0x38;
	[tilespmem:$0x19400] =	vst v63  }
0x4e: {  	s26 =	sadd.s32 s4, s22;
	s22 =	sand.u32 $0x1FFFFFF0, s23;
	s21 =	simm.s32 $0x900;
	(v2sf) =	vpush v0, $0xD  }
0x4f: {  	[tilespmem:s25], [sflag:$0x2] =	stream.linear.gather [hbm4b:s26+s3], $0x80, $0x38;
	[tilespmem:$0x19400] =	vst v63  }
0x50: {  	s23 =	simm.s32 $0x700;
	s29 =	sadd.s32 s4, s22;
	s22 =	simm.s32 $0x780;
	(v2sf) =	vpush v0, $0xE  }
0x51: {  	(v2sf) =	vpush v0, $0xF;
	[tilespmem:s28], [sflag:$0x2] =	stream.linear.gather [hbm4b:s29+s3], $0x80, $0x38;
	[tilespmem:$0x19400] =	vst v63  }
.LBB2_3:
0x52: {  	s31 =	sadd.s32 s4, s31  }
0x53: {  	s2 =	sand.u32 $0x1FFFFFF0, s2;
	s5 =	spop (v2sf);
	s29 =	smov.u32 s16  }
0x54: {  	[tilespmem:s23], [sflag:$0x2] =	stream.linear.gather [hbm4b:s31+s3], $0x80, $0x38;
	[tilespmem:$0x19400] =	vst v63  }
0x55: {  	s2 =	sadd.s32 s4, s2;
	s5 =	sand.u32 $0x1FFFFFF0, s5;
	s23 =	spop (v2sf)  }
0x56: {  	[tilespmem:s22], [sflag:$0x2] =	stream.linear.gather [hbm4b:s2+s3], $0x80, $0x38;
	[tilespmem:$0x19400] =	vst v63  }
0x57: {  	s2 =	sadd.s32 s4, s5;
	s5 =	sand.u32 $0x1FFFFFF0, s23;
	s22 =	spop (v2sf)  }
0x58: {  	[tilespmem:s20], [sflag:$0x2] =	stream.linear.gather [hbm4b:s2+s3], $0x80, $0x38;
	[tilespmem:$0x19400] =	vst v63  }
0x59: {  	s2 =	sadd.s32 s4, s5;
	s5 =	sand.u32 $0x1FFFFFF0, s22;
	s20 =	spop (v2sf)  }
0x5a: {  	[tilespmem:s19], [sflag:$0x2] =	stream.linear.gather [hbm4b:s2+s3], $0x80, $0x38;
	[tilespmem:$0x19400] =	vst v63  }
0x5b: {  	s2 =	sadd.s32 s4, s5;
	s5 =	sand.u32 $0x1FFFFFF0, s20;
	s19 =	spop (v2sf)  }
0x5c: {  	[tilespmem:s21], [sflag:$0x2] =	stream.linear.gather [hbm4b:s2+s3], $0x80, $0x38;
	[tilespmem:$0x19400] =	vst v63  }
0x5d: {  	s2 =	sadd.s32 s4, s5;
	s5 =	sand.u32 $0x1FFFFFF0, s19;
	s19 =	spop (v2sf)  }
0x5e: {  	[tilespmem:s17], [sflag:$0x2] =	stream.linear.gather [hbm4b:s2+s3], $0x80, $0x38;
	[tilespmem:$0x19400] =	vst v63  }
0x5f: {  	s2 =	sadd.s32 s4, s5;
	s5 =	sand.u32 $0x1FFFFFF0, s19;
	s17 =	spop (v2sf)  }
0x60: {  	[tilespmem:s9], [sflag:$0x2] =	stream.linear.gather [hbm4b:s2+s3], $0x80, $0x38;
	[tilespmem:$0x19400] =	vst v63  }
0x61: {  	s2 =	sadd.s32 s4, s5;
	s5 =	sand.u32 $0x1FFFFFF0, s17;
	s9 =	spop (v2sf)  }
0x62: {  	[tilespmem:s1], [sflag:$0x2] =	stream.linear.gather [hbm4b:s2+s3], $0x80, $0x38;
	[tilespmem:$0x19400] =	vst v63  }
0x63: {  	s1 =	sadd.s32 $0xB00, s15;
	s2 =	sadd.s32 s4, s5;
	s5 =	sand.u32 $0x1FFFFFF0, s9  }
0x64: {  	[tilespmem:s1], [sflag:$0x2] =	stream.linear.gather [hbm4b:s2+s3], $0x80, $0x38;
	[tilespmem:$0x19400] =	vst v63  }
0x65: {  	s5 =	sadd.s32 s4, s5;
	s1 =	sand.u32 $0x70, s13;
	s2 =	sand.u32 $0x300, s14  }
0x66: {  	[tilespmem:s18], [sflag:$0x2] =	stream.linear.gather [hbm4b:s5+s3], $0x80, $0x38;
	[tilespmem:$0x19400] =	vst v63  }
0x67: {  	p1 =	sne.s32 s16, $0x30000;
	s16 =	sadd.s32 $0x2000, s16;
	s1 =	sor.u32 s1, s2  }
0x68: {  	s13 =	smov.u32 s6;
	s14 =	smov.u32 s0;
	v0 =	vld [tilespmem:s1+$0x0];
	_ =	sdelay $0x4  }
0x69: {  	s15 =	sshra.s32 s12, $0x2;
	s12 =	smov.u32 s29;
	s6 =	sadd.s32 $0x10, s6;
	v0 =	vshll.u32 v0, $0x4  }
0x6a: {  	s0 =	sadd.s32 $0x20, s0;
	s2 =	sadd.s32 $0x480, s15;
	s1 =	sadd.s32 $0xA80, s15;
	(v2sf) =	vpush v0, $0x0  }
0x6b: {  	s17 =	sadd.s32 $0x980, s15;
	s9 =	sadd.s32 $0xA00, s15;
	s5 =	sadd.s32 $0x400, s15;
	(v2sf) =	vpush v0, $0x1  }
0x6c: {  	s20 =	sadd.s32 $0x800, s15;
	s19 =	sadd.s32 $0x880, s15;
	s21 =	sadd.s32 $0x900, s15;
	(v2sf) =	vpush v0, $0x2  }
0x6d: {  	s23 =	sadd.s32 $0x700, s15;
	s22 =	sadd.s32 $0x780, s15  }
0x6e: {  	s29 =	sadd.s32 $0x680, s15;
	(v2sf) =	vpush v0, $0x3  }
0x6f: {  	s31 =	sadd.s32 $0x600, s15  }
0x70: {  	(v2sf) =	vpush v0, $0x4  }
0x71: {  	s18 =	sadd.s32 $0xB80, s15  }
0x72: {  	(v2sf) =	vpush v0, $0x5;
	_ =	sdelay $0x1  }
0x73: {  	s7 =	sadd.s32 $0x500, s15;
	(v2sf) =	vpush v0, $0x6;
	_ =	sdelay $0x1  }
0x74: {  	s26 =	sadd.s32 $0x580, s15;
	(v2sf) =	vpush v0, $0x7;
	_ =	sdelay $0x1  }
0x75: {  	(v2sf) =	vpush v0, $0x8  }
0x76: {  	s28 =	spop (v2sf)  }
0x77: {  	s28 =	sand.u32 $0x1FFFFFF0, s28;
	s25 =	spop (v2sf);
	(v2sf) =	vpush v0, $0x9  }
0x78: {  	s28 =	sadd.s32 s4, s28;
	s25 =	sand.u32 $0x1FFFFFF0, s25;
	s30 =	spop (v2sf)  }
0x79: {  	[tilespmem:s5], [sflag:$0x2] =	stream.linear.gather [hbm4b:s28+s3], $0x80, $0x38;
	(v2sf) =	vpush v0, $0xA;
	[tilespmem:$0x19400] =	vst v63  }
0x7a: {  	s5 =	sadd.s32 s4, s25;
	s25 =	sand.u32 $0x1FFFFFF0, s30;
	s28 =	spop (v2sf)  }
0x7b: {  	[tilespmem:s2], [sflag:$0x2] =	stream.linear.gather [hbm4b:s5+s3], $0x80, $0x38;
	(v2sf) =	vpush v0, $0xB;
	[tilespmem:$0x19400] =	vst v63  }
0x7c: {  	s2 =	sadd.s32 s4, s25;
	s5 =	sand.u32 $0x1FFFFFF0, s28;
	s25 =	spop (v2sf)  }
0x7d: {  	[tilespmem:s7], [sflag:$0x2] =	stream.linear.gather [hbm4b:s2+s3], $0x80, $0x38;
	(v2sf) =	vpush v0, $0xC;
	[tilespmem:$0x19400] =	vst v63  }
0x7e: {  	s2 =	sadd.s32 s4, s5;
	s5 =	sand.u32 $0x1FFFFFF0, s25;
	s7 =	spop (v2sf)  }
0x7f: {  	[tilespmem:s26], [sflag:$0x2] =	stream.linear.gather [hbm4b:s2+s3], $0x80, $0x38;
	[tilespmem:$0x19400] =	vst v63  }
.Ltmp2:
0x80: {  	(v2sf) =	vpush v0, $0xD;
	(pc) =	sbr.rel @p1 .LBB2_3-.Ltmp2, $4  }
0x81: {  	s2 =	sadd.s32 s4, s5;
	s5 =	sand.u32 $0x1FFFFFF0, s7;
	s7 =	spop (v2sf)  }
0x82: {  	[tilespmem:s31], [sflag:$0x2] =	stream.linear.gather [hbm4b:s2+s3], $0x80, $0x38;
	(v2sf) =	vpush v0, $0xE;
	[tilespmem:$0x19400] =	vst v63  }
0x83: {  	s5 =	sadd.s32 s4, s5;
	s31 =	sand.u32 $0x1FFFFFF0, s7;
	s2 =	spop (v2sf)  }
0x84: {  	[tilespmem:s29], [sflag:$0x2] =	stream.linear.gather [hbm4b:s5+s3], $0x80, $0x38;
	(v2sf) =	vpush v0, $0xF;
	[tilespmem:$0x19400] =	vst v63  }
0x85: {  	s0 =	sadd.s32 s4, s31;
	s2 =	sand.u32 $0x1FFFFFF0, s2;
	s5 =	spop (v2sf)  }
0x86: {  	[tilespmem:s23], [sflag:$0x2] =	stream.linear.gather [hbm4b:s0+s3], $0x80, $0x38;
	[tilespmem:$0x19400] =	vst v63  }
0x87: {  	s28 =	sadd.s32 s4, s2;
	s29 =	sand.u32 $0x1FFFFFF0, s5;
	s30 =	spop (v2sf)  }
0x88: {  	[tilespmem:s22], [sflag:$0x2] =	stream.linear.gather [hbm4b:s28+s3], $0x80, $0x38;
	[tilespmem:$0x19400] =	vst v63  }
0x89: {  	s2 =	sadd.s32 s4, s29;
	s7 =	spop (v2sf)  }
0x8a: {  	[tilespmem:s20], [sflag:$0x2] =	stream.linear.gather [hbm4b:s2+s3], $0x80, $0x38;
	[tilespmem:$0x19400] =	vst v63  }
0x8b: {  	s6 =	sand.u32 $0x1FFFFFF0, s30;
	s20 =	sand.u32 $0x1FFFFFF0, s7;
	s22 =	spop (v2sf)  }
0x8c: {  	s16 =	sadd.s32 s4, s6;
	s23 =	sadd.s32 s4, s20;
	s25 =	sand.u32 $0x1FFFFFF0, s22  }
0x8d: {  	[tilespmem:s19], [sflag:$0x2] =	stream.linear.gather [hbm4b:s16+s3], $0x80, $0x38;
	[tilespmem:$0x19400] =	vst v63  }
0x8e: {  	s20 =	sadd.s32 $0xB00, s15;
	s26 =	spop (v2sf);
	s28 =	sadd.s32 s4, s25  }
0x8f: {  	[tilespmem:s21], [sflag:$0x2] =	stream.linear.gather [hbm4b:s23+s3], $0x80, $0x38;
	[tilespmem:$0x19400] =	vst v63  }
0x90: {  	s25 =	sand.u32 $0x300, s14;
	s29 =	sand.u32 $0x1FFFFFF0, s26;
	s30 =	spop (v2sf)  }
0x91: {  	[tilespmem:s17], [sflag:$0x2] =	stream.linear.gather [hbm4b:s28+s3], $0x80, $0x38;
	[tilespmem:$0x19400] =	vst v63  }
0x92: {  	s2 =	sadd.s32 s4, s29;
	s6 =	sand.u32 $0x1FFFFFF0, s30;
	s7 =	spop (v2sf)  }
0x93: {  	[tilespmem:s9], [sflag:$0x2] =	stream.linear.gather [hbm4b:s2+s3], $0x80, $0x38;
	[tilespmem:$0x19400] =	vst v63  }
0x94: {  	s16 =	sadd.s32 s4, s6;
	s17 =	sand.u32 $0x1FFFFFF0, s7;
	s19 =	spop (v2sf)  }
0x95: {  	[tilespmem:s1], [sflag:$0x2] =	stream.linear.gather [hbm4b:s16+s3], $0x80, $0x38;
	[tilespmem:$0x19400] =	vst v63  }
0x96: {  	s23 =	sand.u32 $0x70, s13;
	s21 =	sadd.s32 s4, s17;
	s22 =	sand.u32 $0x1FFFFFF0, s19  }
0x97: {  	[tilespmem:s20], [sflag:$0x2] =	stream.linear.gather [hbm4b:s21+s3], $0x80, $0x38;
	[tilespmem:$0x19400] =	vst v63  }
0x98: {  	s0 =	sor.u32 s23, s25;
	s2 =	sadd.s32 s4, s22  }
0x99: {  	[tilespmem:s18], [sflag:$0x2] =	stream.linear.gather [hbm4b:s2+s3], $0x80, $0x38;
	[tilespmem:$0x19400] =	vst v63  }
0x9a: {  	v0 =	vld [tilespmem:s0+$0x0];
	_ =	sdelay $0x4  }
0x9b: {  	v0 =	vshll.u32 v0, $0x4  }
0x9c: {  	(v2sf) =	vpush v0, $0x0  }
0x9d: {  	(v2sf) =	vpush v0, $0x1  }
0x9e: {  	(v2sf) =	vpush v0, $0x2;
	_ =	sdelay $0x1  }
0x9f: {  	(v2sf) =	vpush v0, $0x3;
	_ =	sdelay $0x1  }
0xa0: {  	(v2sf) =	vpush v0, $0x4;
	_ =	sdelay $0x1  }
0xa1: {  	(v2sf) =	vpush v0, $0x5;
	_ =	sdelay $0x1  }
0xa2: {  	s0 =	sshra.s32 s12, $0x2;
	(v2sf) =	vpush v0, $0x6  }
0xa3: {  	s2 =	sadd.s32 $0x480, s0;
	s1 =	sadd.s32 $0xA80, s0  }
0xa4: {  	s26 =	sadd.s32 $0x400, s0;
	s9 =	sadd.s32 $0x980, s0;
	s6 =	sadd.s32 $0xA00, s0;
	(v2sf) =	vpush v0, $0x7  }
0xa5: {  	s7 =	sadd.s32 $0x800, s0;
	s12 =	sadd.s32 $0x880, s0;
	s13 =	sadd.s32 $0x900, s0  }
0xa6: {  	s14 =	sadd.s32 $0x700, s0;
	s15 =	sadd.s32 $0x780, s0;
	s16 =	sadd.s32 $0x680, s0;
	(v2sf) =	vpush v0, $0x8  }
0xa7: {  	s17 =	sadd.s32 $0x600, s0;
	s18 =	sadd.s32 $0x500, s0;
	s28 =	spop (v2sf)  }
0xa8: {  	s20 =	sadd.s32 $0x580, s0;
	s19 =	sand.u32 $0x1FFFFFF0, s28;
	s29 =	spop (v2sf);
	(v2sf) =	vpush v0, $0x9  }
0xa9: {  	s19 =	sadd.s32 s4, s19;
	s21 =	sand.u32 $0x1FFFFFF0, s29;
	s30 =	spop (v2sf)  }
0xaa: {  	(v2sf) =	vpush v0, $0xA;
	[tilespmem:s26], [sflag:$0x2] =	stream.linear.gather [hbm4b:s19+s3], $0x80, $0x38;
	[tilespmem:$0x19400] =	vst v63  }
0xab: {  	s23 =	sadd.s32 s4, s21;
	s25 =	sand.u32 $0x1FFFFFF0, s30;
	s26 =	spop (v2sf)  }
0xac: {  	(v2sf) =	vpush v0, $0xB;
	[tilespmem:s2], [sflag:$0x2] =	stream.linear.gather [hbm4b:s23+s3], $0x80, $0x38;
	[tilespmem:$0x19400] =	vst v63  }
0xad: {  	s28 =	sadd.s32 s4, s25;
	s29 =	sand.u32 $0x1FFFFFF0, s26;
	s30 =	spop (v2sf)  }
0xae: {  	(v2sf) =	vpush v0, $0xC;
	[tilespmem:s18], [sflag:$0x2] =	stream.linear.gather [hbm4b:s28+s3], $0x80, $0x38;
	[tilespmem:$0x19400] =	vst v63  }
0xaf: {  	s5 =	sadd.s32 s4, s29;
	s19 =	spop (v2sf);
	s18 =	sand.u32 $0x1FFFFFF0, s30  }
0xb0: {  	(v2sf) =	vpush v0, $0xD;
	[tilespmem:s20], [sflag:$0x2] =	stream.linear.gather [hbm4b:s5+s3], $0x80, $0x38;
	[tilespmem:$0x19400] =	vst v63  }
0xb1: {  	s21 =	sand.u32 $0x1FFFFFF0, s19;
	s22 =	spop (v2sf);
	s20 =	sadd.s32 s4, s18  }
0xb2: {  	(v2sf) =	vpush v0, $0xE;
	[tilespmem:s17], [sflag:$0x2] =	stream.linear.gather [hbm4b:s20+s3], $0x80, $0x38;
	[tilespmem:$0x19400] =	vst v63  }
0xb3: {  	s23 =	sadd.s32 s4, s21;
	s25 =	sand.u32 $0x1FFFFFF0, s22;
	s26 =	spop (v2sf)  }
0xb4: {  	(v2sf) =	vpush v0, $0xF;
	[tilespmem:s16], [sflag:$0x2] =	stream.linear.gather [hbm4b:s23+s3], $0x80, $0x38;
	[tilespmem:$0x19400] =	vst v63  }
0xb5: {  	s28 =	sadd.s32 s4, s25;
	s29 =	sand.u32 $0x1FFFFFF0, s26;
	s30 =	spop (v2sf)  }
0xb6: {  	[tilespmem:s14], [sflag:$0x2] =	stream.linear.gather [hbm4b:s28+s3], $0x80, $0x38;
	[tilespmem:$0x19400] =	vst v63  }
0xb7: {  	s18 =	sand.u32 $0x1FFFFFF0, s30;
	s17 =	sadd.s32 s4, s29;
	s19 =	spop (v2sf)  }
0xb8: {  	[tilespmem:s15], [sflag:$0x2] =	stream.linear.gather [hbm4b:s17+s3], $0x80, $0x38;
	[tilespmem:$0x19400] =	vst v63  }
0xb9: {  	s20 =	sadd.s32 s4, s18;
	s21 =	sand.u32 $0x1FFFFFF0, s19;
	s22 =	spop (v2sf)  }
0xba: {  	[tilespmem:s7], [sflag:$0x2] =	stream.linear.gather [hbm4b:s20+s3], $0x80, $0x38;
	[tilespmem:$0x19400] =	vst v63  }
0xbb: {  	s23 =	sadd.s32 s4, s21;
	s25 =	sand.u32 $0x1FFFFFF0, s22;
	s26 =	spop (v2sf)  }
0xbc: {  	[tilespmem:s12], [sflag:$0x2] =	stream.linear.gather [hbm4b:s23+s3], $0x80, $0x38;
	[tilespmem:$0x19400] =	vst v63  }
0xbd: {  	s28 =	sadd.s32 s4, s25;
	s29 =	sand.u32 $0x1FFFFFF0, s26;
	s30 =	spop (v2sf)  }
0xbe: {  	[tilespmem:s13], [sflag:$0x2] =	stream.linear.gather [hbm4b:s28+s3], $0x80, $0x38;
	[tilespmem:$0x19400] =	vst v63  }
0xbf: {  	s5 =	sadd.s32 s4, s29;
	s12 =	sand.u32 $0x1FFFFFF0, s30;
	s13 =	spop (v2sf)  }
0xc0: {  	[tilespmem:s9], [sflag:$0x2] =	stream.linear.gather [hbm4b:s5+s3], $0x80, $0x38;
	[tilespmem:$0x19400] =	vst v63  }
0xc1: {  	s14 =	sadd.s32 s4, s12;
	s15 =	sand.u32 $0x1FFFFFF0, s13;
	s16 =	spop (v2sf)  }
0xc2: {  	[tilespmem:s6], [sflag:$0x2] =	stream.linear.gather [hbm4b:s14+s3], $0x80, $0x38;
	[tilespmem:$0x19400] =	vst v63  }
0xc3: {  	s17 =	sadd.s32 s4, s15;
	s18 =	sand.u32 $0x1FFFFFF0, s16;
	s19 =	spop (v2sf)  }
0xc4: {  	[tilespmem:s1], [sflag:$0x2] =	stream.linear.gather [hbm4b:s17+s3], $0x80, $0x38;
	[tilespmem:$0x19400] =	vst v63  }
0xc5: {  	s20 =	sadd.s32 $0xB00, s0;
	s21 =	sadd.s32 s4, s18;
	s22 =	sand.u32 $0x1FFFFFF0, s19  }
0xc6: {  	[tilespmem:s20], [sflag:$0x2] =	stream.linear.gather [hbm4b:s21+s3], $0x80, $0x38;
	[tilespmem:$0x19400] =	vst v63  }
0xc7: {  	s0 =	sadd.s32 $0xB80, s0;
	s23 =	sadd.s32 s4, s22  }
0xc8: {  	[tilespmem:s0], [sflag:$0x2] =	stream.linear.gather [hbm4b:s23+s3], $0x80, $0x38;
	[tilespmem:$0x19400] =	vst v63  }
0xc9: {  	_ =	swait.ge [sflag:s24], $0x200  }
0xca: {  	[sflag:s24] =	ssyncset.done $0x0  }
0xcb: {  	s0 =	simm.s32 @!p0 $0x5;
	[sflag:s24] =	ssyncadd.s32 $0xFFFFFE00  }
0xcc: {  	s25 =	simm.s32 $0x0;
	_ =	swait.ge @!p0 [sflag:s0], $0xC800  }
0xcd: {  	s26 =	sand.u32 $0x70, s25;
	s1 =	sand.u32 $0x300, s25;
	[sflag:s0] =	ssyncset.done @!p0 $0x0  }
0xce: {  	s28 =	sor.u32 s26, s1;
	[sflag:s0] =	ssyncadd.s32 @!p0 $0xFFFF3800  }
0xcf: {  	v63 =	vld [tilespmem:s28+$0x80];
	_ =	sdelay $0x4  }
0xd0: {  	v0 =	vshll.u32 v63, $0x4  }
0xd1: {  	(v2sf) =	vpush v0, $0x0  }
0xd2: {  	(v2sf) =	vpush v0, $0x1  }
0xd3: {  	(v2sf) =	vpush v0, $0x2;
	_ =	sdelay $0x1  }
0xd4: {  	(v2sf) =	vpush v0, $0x3  }
0xd5: {  	(v2sf) =	vpush v0, $0x4;
	_ =	sdelay $0x4  }
0xd6: {  	(v2sf) =	vpush v0, $0x5;
	_ =	sdelay $0x2  }
0xd7: {  	s29 =	simm.s32 $0xCC80  }
0xd8: {  	s30 =	simm.s32 $0xCC00;
	s12 =	simm.s32 $0x2000;
	s13 =	simm.s32 $0x10;
	(v2sf) =	vpush v0, $0x6  }
0xd9: {  	s16 =	simm.s32 $0x4000;
	s15 =	simm.s32 $0x0;
	s21 =	spop (v2sf)  }
0xda: {  	s9 =	simm.s32 $0xD200;
	s7 =	sand.u32 $0x1FFFFFF0, s21;
	s22 =	spop (v2sf)  }
0xdb: {  	s5 =	simm.s32 $0xCD80;
	s7 =	sadd.s32 s4, s7;
	s25 =	spop (v2sf)  }
0xdc: {  	(v2sf) =	vpush v0, $0x7;
	[tilespmem:s30], [sflag:$0x3] =	stream.linear.gather [hbm4b:s7+s3], $0x80, $0x38;
	[tilespmem:$0x19400] =	vst v63  }
0xdd: {  	s19 =	simm.s32 $0xD080;
	s18 =	simm.s32 $0xCD00;
	s26 =	spop (v2sf)  }
0xde: {  	s14 =	simm.s32 $0x20;
	s6 =	simm.s32 $0x20;
	s30 =	spop (v2sf);
	(v2sf) =	vpush v0, $0x8  }
0xdf: {  	s17 =	simm.s32 $0xD180;
	s1 =	simm.s32 $0xD280;
	s20 =	simm.s32 $0xD000  }
0xe0: {  	s0 =	simm.s32 $0x40;
	s23 =	sand.u32 $0x1FFFFFF0, s22;
	s21 =	sand.u32 $0x1FFFFFF0, s25;
	(v2sf) =	vpush v0, $0x9  }
0xe1: {  	s7 =	sadd.s32 s4, s23;
	s23 =	simm.s32 $0xCE00;
	s28 =	sadd.s32 s4, s21  }
0xe2: {  	[tilespmem:s29], [sflag:$0x3] =	stream.linear.gather [hbm4b:s7+s3], $0x80, $0x38;
	(v2sf) =	vpush v0, $0xA;
	[tilespmem:$0x19400] =	vst v63  }
0xe3: {  	s29 =	sand.u32 $0x1FFFFFF0, s26;
	s21 =	sand.u32 $0x1FFFFFF0, s30;
	s22 =	spop (v2sf)  }
0xe4: {  	[tilespmem:s18], [sflag:$0x3] =	stream.linear.gather [hbm4b:s28+s3], $0x80, $0x38;
	(v2sf) =	vpush v0, $0xB;
	[tilespmem:$0x19400] =	vst v63  }
0xe5: {  	s25 =	sadd.s32 s4, s21;
	s26 =	sand.u32 $0x1FFFFFF0, s22;
	s18 =	sadd.s32 s4, s29  }
0xe6: {  	(v2sf) =	vpush v0, $0xC;
	[tilespmem:s5], [sflag:$0x3] =	stream.linear.gather [hbm4b:s18+s3], $0x80, $0x38;
	[tilespmem:$0x19400] =	vst v63  }
0xe7: {  	s21 =	simm.s32 $0xD100;
	s22 =	simm.s32 $0xCF80;
	s30 =	spop (v2sf)  }
0xe8: {  	(v2sf) =	vpush v0, $0xD;
	[tilespmem:s23], [sflag:$0x3] =	stream.linear.gather [hbm4b:s25+s3], $0x80, $0x38;
	[tilespmem:$0x19400] =	vst v63  }
0xe9: {  	s28 =	simm.s32 $0xCE80;
	s29 =	sadd.s32 s4, s26;
	s2 =	sand.u32 $0x1FFFFFF0, s30  }
0xea: {  	(v2sf) =	vpush v0, $0xE;
	[tilespmem:s28], [sflag:$0x3] =	stream.linear.gather [hbm4b:s29+s3], $0x80, $0x38;
	[tilespmem:$0x19400] =	vst v63  }
0xeb: {  	s18 =	simm.s32 $0xD380;
	s23 =	simm.s32 $0xCF00;
	s31 =	spop (v2sf);
	(v2sf) =	vpush v0, $0xF  }
.LBB2_5:
0xec: {  	s2 =	sadd.s32 s4, s2  }
0xed: {  	s5 =	sand.u32 $0x1FFFFFF0, s31;
	s7 =	spop (v2sf);
	s29 =	smov.u32 s16  }
0xee: {  	[tilespmem:s23], [sflag:$0x3] =	stream.linear.gather [hbm4b:s2+s3], $0x80, $0x38;
	[tilespmem:$0x19400] =	vst v63  }
0xef: {  	s2 =	sadd.s32 s4, s5;
	s5 =	sand.u32 $0x1FFFFFF0, s7;
	s7 =	spop (v2sf)  }
0xf0: {  	[tilespmem:s22], [sflag:$0x3] =	stream.linear.gather [hbm4b:s2+s3], $0x80, $0x38;
	[tilespmem:$0x19400] =	vst v63  }
0xf1: {  	s2 =	sadd.s32 s4, s5;
	s5 =	sand.u32 $0x1FFFFFF0, s7;
	s7 =	spop (v2sf)  }
0xf2: {  	[tilespmem:s20], [sflag:$0x3] =	stream.linear.gather [hbm4b:s2+s3], $0x80, $0x38;
	[tilespmem:$0x19400] =	vst v63  }
0xf3: {  	s2 =	sadd.s32 s4, s5;
	s5 =	sand.u32 $0x1FFFFFF0, s7;
	s7 =	spop (v2sf)  }
0xf4: {  	[tilespmem:s19], [sflag:$0x3] =	stream.linear.gather [hbm4b:s2+s3], $0x80, $0x38;
	[tilespmem:$0x19400] =	vst v63  }
0xf5: {  	s2 =	sadd.s32 s4, s5;
	s5 =	sand.u32 $0x1FFFFFF0, s7;
	s7 =	spop (v2sf)  }
0xf6: {  	[tilespmem:s21], [sflag:$0x3] =	stream.linear.gather [hbm4b:s2+s3], $0x80, $0x38;
	[tilespmem:$0x19400] =	vst v63  }
0xf7: {  	s2 =	sadd.s32 s4, s5;
	s5 =	sand.u32 $0x1FFFFFF0, s7;
	s7 =	spop (v2sf)  }
0xf8: {  	[tilespmem:s17], [sflag:$0x3] =	stream.linear.gather [hbm4b:s2+s3], $0x80, $0x38;
	[tilespmem:$0x19400] =	vst v63  }
0xf9: {  	s2 =	sadd.s32 s4, s5;
	s5 =	sand.u32 $0x1FFFFFF0, s7;
	s7 =	spop (v2sf)  }
0xfa: {  	[tilespmem:s9], [sflag:$0x3] =	stream.linear.gather [hbm4b:s2+s3], $0x80, $0x38;
	[tilespmem:$0x19400] =	vst v63  }
0xfb: {  	s2 =	sadd.s32 s4, s5;
	s5 =	sand.u32 $0x1FFFFFF0, s7;
	s7 =	spop (v2sf)  }
0xfc: {  	[tilespmem:s1], [sflag:$0x3] =	stream.linear.gather [hbm4b:s2+s3], $0x80, $0x38;
	[tilespmem:$0x19400] =	vst v63  }
0xfd: {  	s1 =	sadd.s32 $0xD300, s15;
	s2 =	sadd.s32 s4, s5;
	s5 =	sand.u32 $0x1FFFFFF0, s7  }
0xfe: {  	[tilespmem:s1], [sflag:$0x3] =	stream.linear.gather [hbm4b:s2+s3], $0x80, $0x38;
	[tilespmem:$0x19400] =	vst v63  }
0xff: {  	s5 =	sadd.s32 s4, s5;
	s1 =	sand.u32 $0x70, s13;
	s2 =	sand.u32 $0x300, s14  }
0x100: {  	[tilespmem:s18], [sflag:$0x3] =	stream.linear.gather [hbm4b:s5+s3], $0x80, $0x38;
	[tilespmem:$0x19400] =	vst v63  }
0x101: {  	p0 =	sne.s32 s16, $0x30000;
	s16 =	sadd.s32 $0x2000, s16;
	s1 =	sor.u32 s1, s2  }
0x102: {  	s13 =	smov.u32 s6;
	s14 =	smov.u32 s0;
	v0 =	vld [tilespmem:s1+$0x80];
	_ =	sdelay $0x4  }
0x103: {  	s15 =	sshra.s32 s12, $0x2;
	s12 =	smov.u32 s29;
	s6 =	sadd.s32 $0x10, s6;
	v0 =	vshll.u32 v0, $0x4  }
0x104: {  	s0 =	sadd.s32 $0x20, s0;
	s2 =	sadd.s32 $0xCC80, s15;
	s1 =	sadd.s32 $0xD280, s15;
	(v2sf) =	vpush v0, $0x0  }
0x105: {  	s17 =	sadd.s32 $0xD180, s15;
	s9 =	sadd.s32 $0xD200, s15;
	s5 =	sadd.s32 $0xCC00, s15;
	(v2sf) =	vpush v0, $0x1  }
0x106: {  	s20 =	sadd.s32 $0xD000, s15;
	s19 =	sadd.s32 $0xD080, s15;
	s21 =	sadd.s32 $0xD100, s15;
	(v2sf) =	vpush v0, $0x2  }
0x107: {  	s23 =	sadd.s32 $0xCF00, s15;
	s22 =	sadd.s32 $0xCF80, s15  }
0x108: {  	s29 =	sadd.s32 $0xCE80, s15;
	(v2sf) =	vpush v0, $0x3  }
0x109: {  	s7 =	sadd.s32 $0xCE00, s15  }
0x10a: {  	(v2sf) =	vpush v0, $0x4  }
0x10b: {  	s18 =	sadd.s32 $0xD380, s15  }
0x10c: {  	(v2sf) =	vpush v0, $0x5;
	_ =	sdelay $0x1  }
0x10d: {  	s25 =	sadd.s32 $0xCD00, s15;
	(v2sf) =	vpush v0, $0x6;
	_ =	sdelay $0x1  }
0x10e: {  	s26 =	sadd.s32 $0xCD80, s15;
	(v2sf) =	vpush v0, $0x7;
	_ =	sdelay $0x1  }
0x10f: {  	(v2sf) =	vpush v0, $0x8  }
0x110: {  	s28 =	spop (v2sf)  }
0x111: {  	s28 =	sand.u32 $0x1FFFFFF0, s28;
	s30 =	spop (v2sf);
	(v2sf) =	vpush v0, $0x9  }
0x112: {  	s28 =	sadd.s32 s4, s28;
	s30 =	sand.u32 $0x1FFFFFF0, s30;
	s31 =	spop (v2sf)  }
0x113: {  	[tilespmem:s5], [sflag:$0x3] =	stream.linear.gather [hbm4b:s28+s3], $0x80, $0x38;
	(v2sf) =	vpush v0, $0xA;
	[tilespmem:$0x19400] =	vst v63  }
0x114: {  	s5 =	sadd.s32 s4, s30;
	s28 =	sand.u32 $0x1FFFFFF0, s31;
	s30 =	spop (v2sf)  }
0x115: {  	[tilespmem:s2], [sflag:$0x3] =	stream.linear.gather [hbm4b:s5+s3], $0x80, $0x38;
	(v2sf) =	vpush v0, $0xB;
	[tilespmem:$0x19400] =	vst v63  }
0x116: {  	s2 =	sadd.s32 s4, s28;
	s5 =	sand.u32 $0x1FFFFFF0, s30;
	s28 =	spop (v2sf)  }
0x117: {  	[tilespmem:s25], [sflag:$0x3] =	stream.linear.gather [hbm4b:s2+s3], $0x80, $0x38;
	(v2sf) =	vpush v0, $0xC;
	[tilespmem:$0x19400] =	vst v63  }
0x118: {  	s2 =	sadd.s32 s4, s5;
	s5 =	sand.u32 $0x1FFFFFF0, s28;
	s25 =	spop (v2sf)  }
0x119: {  	[tilespmem:s26], [sflag:$0x3] =	stream.linear.gather [hbm4b:s2+s3], $0x80, $0x38;
	[tilespmem:$0x19400] =	vst v63  }
.Ltmp3:
0x11a: {  	(v2sf) =	vpush v0, $0xD;
	(pc) =	sbr.rel @p0 .LBB2_5-.Ltmp3, $4  }
0x11b: {  	s2 =	sadd.s32 s4, s5;
	s5 =	sand.u32 $0x1FFFFFF0, s25;
	s25 =	spop (v2sf)  }
0x11c: {  	[tilespmem:s7], [sflag:$0x3] =	stream.linear.gather [hbm4b:s2+s3], $0x80, $0x38;
	(v2sf) =	vpush v0, $0xE;
	[tilespmem:$0x19400] =	vst v63  }
0x11d: {  	s5 =	sadd.s32 s4, s5;
	s2 =	sand.u32 $0x1FFFFFF0, s25;
	s31 =	spop (v2sf)  }
0x11e: {  	[tilespmem:s29], [sflag:$0x3] =	stream.linear.gather [hbm4b:s5+s3], $0x80, $0x38;
	(v2sf) =	vpush v0, $0xF;
	[tilespmem:$0x19400] =	vst v63  }
0x11f: {  	s0 =	sadd.s32 s4, s2;
	s25 =	sand.u32 $0x1FFFFFF0, s31  }
0x120: {  	[tilespmem:s23], [sflag:$0x3] =	stream.linear.gather [hbm4b:s0+s3], $0x80, $0x38;
	[tilespmem:$0x19400] =	vst v63  }
0x121: {  	s26 =	spop (v2sf);
	s0 =	sadd.s32 s4, s25  }
0x122: {  	[tilespmem:s22], [sflag:$0x3] =	stream.linear.gather [hbm4b:s0+s3], $0x80, $0x38;
	[tilespmem:$0x19400] =	vst v63  }
0x123: {  	s0 =	sand.u32 $0x1FFFFFF0, s26  }
0x124: {  	s28 =	spop (v2sf);
	s0 =	sadd.s32 s4, s0  }
0x125: {  	[tilespmem:s20], [sflag:$0x3] =	stream.linear.gather [hbm4b:s0+s3], $0x80, $0x38;
	[tilespmem:$0x19400] =	vst v63  }
0x126: {  	s0 =	sand.u32 $0x1FFFFFF0, s28  }
0x127: {  	s29 =	spop (v2sf);
	s0 =	sadd.s32 s4, s0  }
0x128: {  	[tilespmem:s19], [sflag:$0x3] =	stream.linear.gather [hbm4b:s0+s3], $0x80, $0x38;
	[tilespmem:$0x19400] =	vst v63  }
0x129: {  	s0 =	sand.u32 $0x1FFFFFF0, s29  }
0x12a: {  	s30 =	spop (v2sf);
	s0 =	sadd.s32 s4, s0  }
0x12b: {  	[tilespmem:s21], [sflag:$0x3] =	stream.linear.gather [hbm4b:s0+s3], $0x80, $0x38;
	[tilespmem:$0x19400] =	vst v63  }
0x12c: {  	s0 =	sand.u32 $0x1FFFFFF0, s30  }
0x12d: {  	s31 =	spop (v2sf);
	s0 =	sadd.s32 s4, s0  }
0x12e: {  	[tilespmem:s17], [sflag:$0x3] =	stream.linear.gather [hbm4b:s0+s3], $0x80, $0x38;
	[tilespmem:$0x19400] =	vst v63  }
0x12f: {  	s0 =	sand.u32 $0x1FFFFFF0, s31  }
0x130: {  	s2 =	spop (v2sf);
	s0 =	sadd.s32 s4, s0  }
0x131: {  	[tilespmem:s9], [sflag:$0x3] =	stream.linear.gather [hbm4b:s0+s3], $0x80, $0x38;
	[tilespmem:$0x19400] =	vst v63  }
0x132: {  	s0 =	sand.u32 $0x1FFFFFF0, s2  }
0x133: {  	s5 =	spop (v2sf);
	s0 =	sadd.s32 s4, s0  }
0x134: {  	[tilespmem:s1], [sflag:$0x3] =	stream.linear.gather [hbm4b:s0+s3], $0x80, $0x38;
	[tilespmem:$0x19400] =	vst v63  }
0x135: {  	s0 =	sand.u32 $0x1FFFFFF0, s5  }
0x136: {  	s6 =	sadd.s32 $0xD300, s15;
	s7 =	spop (v2sf);
	s0 =	sadd.s32 s4, s0  }
0x137: {  	[tilespmem:s6], [sflag:$0x3] =	stream.linear.gather [hbm4b:s0+s3], $0x80, $0x38;
	[tilespmem:$0x19400] =	vst v63  }
0x138: {  	s0 =	sand.u32 $0x1FFFFFF0, s7  }
0x139: {  	s9 =	sand.u32 $0x70, s13;
	s13 =	sand.u32 $0x300, s14;
	s0 =	sadd.s32 s4, s0  }
0x13a: {  	[tilespmem:s18], [sflag:$0x3] =	stream.linear.gather [hbm4b:s0+s3], $0x80, $0x38;
	[tilespmem:$0x19400] =	vst v63  }
0x13b: {  	s0 =	sor.u32 s9, s13  }
0x13c: {  	v0 =	vld [tilespmem:s0+$0x80];
	_ =	sdelay $0x4  }
0x13d: {  	v0 =	vshll.u32 v0, $0x4  }
0x13e: {  	(v2sf) =	vpush v0, $0x0;
	_ =	sdelay $0x1  }
0x13f: {  	(v2sf) =	vpush v0, $0x1;
	_ =	sdelay $0x1  }
0x140: {  	(v2sf) =	vpush v0, $0x2;
	_ =	sdelay $0x2  }
0x141: {  	(v2sf) =	vpush v0, $0x3;
	_ =	sdelay $0x7  }
0x142: {  	s14 =	spop (v2sf);
	(v2sf) =	vpush v0, $0x4;
	_ =	sdelay $0x1  }
0x143: {  	s16 =	spop (v2sf);
	(v2sf) =	vpush v0, $0x5;
	_ =	sdelay $0x1  }
0x144: {  	s18 =	spop (v2sf);
	(v2sf) =	vpush v0, $0x6;
	_ =	sdelay $0x1  }
0x145: {  	s0 =	sshra.s32 s12, $0x2;
	s1 =	sand.u32 $0x1FFFFFF0, s14  }
0x146: {  	s15 =	sadd.s32 $0xCC00, s0;
	s1 =	sadd.s32 s4, s1;
	s20 =	spop (v2sf);
	(v2sf) =	vpush v0, $0x7  }
0x147: {  	[tilespmem:s15], [sflag:$0x3] =	stream.linear.gather [hbm4b:s1+s3], $0x80, $0x38;
	[tilespmem:$0x19400] =	vst v63  }
0x148: {  	s1 =	sand.u32 $0x1FFFFFF0, s16  }
0x149: {  	s17 =	sadd.s32 $0xCC80, s0;
	s1 =	sadd.s32 s4, s1  }
0x14a: {  	[tilespmem:s17], [sflag:$0x3] =	stream.linear.gather [hbm4b:s1+s3], $0x80, $0x38;
	[tilespmem:$0x19400] =	vst v63  }
0x14b: {  	s1 =	sand.u32 $0x1FFFFFF0, s18  }
0x14c: {  	s19 =	sadd.s32 $0xCD00, s0;
	s1 =	sadd.s32 s4, s1  }
0x14d: {  	[tilespmem:s19], [sflag:$0x3] =	stream.linear.gather [hbm4b:s1+s3], $0x80, $0x38;
	[tilespmem:$0x19400] =	vst v63  }
0x14e: {  	s22 =	spop (v2sf);
	(v2sf) =	vpush v0, $0x8  }
0x14f: {  	s1 =	sand.u32 $0x1FFFFFF0, s20  }
0x150: {  	s21 =	sadd.s32 $0xCD80, s0;
	s1 =	sadd.s32 s4, s1;
	s25 =	spop (v2sf);
	(v2sf) =	vpush v0, $0x9  }
0x151: {  	[tilespmem:s21], [sflag:$0x3] =	stream.linear.gather [hbm4b:s1+s3], $0x80, $0x38;
	[tilespmem:$0x19400] =	vst v63  }
0x152: {  	s1 =	sand.u32 $0x1FFFFFF0, s22;
	s28 =	spop (v2sf);
	(v2sf) =	vpush v0, $0xA  }
0x153: {  	s23 =	sadd.s32 $0xCE00, s0;
	s1 =	sadd.s32 s4, s1  }
0x154: {  	[tilespmem:s23], [sflag:$0x3] =	stream.linear.gather [hbm4b:s1+s3], $0x80, $0x38;
	[tilespmem:$0x19400] =	vst v63  }
0x155: {  	s30 =	spop (v2sf);
	(v2sf) =	vpush v0, $0xB  }
0x156: {  	s1 =	sand.u32 $0x1FFFFFF0, s25  }
0x157: {  	s26 =	sadd.s32 $0xCE80, s0;
	s1 =	sadd.s32 s4, s1  }
0x158: {  	[tilespmem:s26], [sflag:$0x3] =	stream.linear.gather [hbm4b:s1+s3], $0x80, $0x38;
	[tilespmem:$0x19400] =	vst v63  }
0x159: {  	s1 =	sand.u32 $0x1FFFFFF0, s28  }
0x15a: {  	s29 =	sadd.s32 $0xCF00, s0;
	s1 =	sadd.s32 s4, s1  }
0x15b: {  	[tilespmem:s29], [sflag:$0x3] =	stream.linear.gather [hbm4b:s1+s3], $0x80, $0x38;
	[tilespmem:$0x19400] =	vst v63  }
0x15c: {  	s1 =	sand.u32 $0x1FFFFFF0, s30  }
0x15d: {  	s31 =	sadd.s32 $0xCF80, s0;
	s1 =	sadd.s32 s4, s1;
	s2 =	spop (v2sf);
	(v2sf) =	vpush v0, $0xC  }
0x15e: {  	[tilespmem:s31], [sflag:$0x3] =	stream.linear.gather [hbm4b:s1+s3], $0x80, $0x38;
	[tilespmem:$0x19400] =	vst v63  }
0x15f: {  	s6 =	spop (v2sf);
	(v2sf) =	vpush v0, $0xD  }
0x160: {  	s1 =	sand.u32 $0x1FFFFFF0, s2  }
0x161: {  	s5 =	sadd.s32 $0xD000, s0;
	s1 =	sadd.s32 s4, s1;
	s9 =	spop (v2sf)  }
0x162: {  	(v2sf) =	vpush v0, $0xE;
	[tilespmem:s5], [sflag:$0x3] =	stream.linear.gather [hbm4b:s1+s3], $0x80, $0x38;
	[tilespmem:$0x19400] =	vst v63  }
0x163: {  	s1 =	sand.u32 $0x1FFFFFF0, s6  }
0x164: {  	s7 =	sadd.s32 $0xD080, s0;
	s13 =	spop (v2sf);
	s1 =	sadd.s32 s4, s1  }
0x165: {  	(v2sf) =	vpush v0, $0xF;
	[tilespmem:s7], [sflag:$0x3] =	stream.linear.gather [hbm4b:s1+s3], $0x80, $0x38;
	[tilespmem:$0x19400] =	vst v63  }
0x166: {  	s1 =	sand.u32 $0x1FFFFFF0, s9  }
0x167: {  	s12 =	sadd.s32 $0xD100, s0;
	s1 =	sadd.s32 s4, s1  }
0x168: {  	[tilespmem:s12], [sflag:$0x3] =	stream.linear.gather [hbm4b:s1+s3], $0x80, $0x38;
	[tilespmem:$0x19400] =	vst v63  }
0x169: {  	s1 =	sand.u32 $0x1FFFFFF0, s13  }
0x16a: {  	s14 =	sadd.s32 $0xD180, s0;
	s1 =	sadd.s32 s4, s1  }
0x16b: {  	[tilespmem:s14], [sflag:$0x3] =	stream.linear.gather [hbm4b:s1+s3], $0x80, $0x38;
	[tilespmem:$0x19400] =	vst v63  }
0x16c: {  	s15 =	spop (v2sf)  }
0x16d: {  	s1 =	sand.u32 $0x1FFFFFF0, s15  }
0x16e: {  	s16 =	sadd.s32 $0xD200, s0;
	s17 =	spop (v2sf);
	s1 =	sadd.s32 s4, s1  }
0x16f: {  	[tilespmem:s16], [sflag:$0x3] =	stream.linear.gather [hbm4b:s1+s3], $0x80, $0x38;
	[tilespmem:$0x19400] =	vst v63  }
0x170: {  	s1 =	sand.u32 $0x1FFFFFF0, s17  }
0x171: {  	s18 =	sadd.s32 $0xD280, s0;
	s19 =	spop (v2sf);
	s1 =	sadd.s32 s4, s1  }
0x172: {  	[tilespmem:s18], [sflag:$0x3] =	stream.linear.gather [hbm4b:s1+s3], $0x80, $0x38;
	[tilespmem:$0x19400] =	vst v63  }
0x173: {  	s1 =	sand.u32 $0x1FFFFFF0, s19  }
0x174: {  	s20 =	sadd.s32 $0xD300, s0;
	s21 =	spop (v2sf);
	s1 =	sadd.s32 s4, s1  }
0x175: {  	[tilespmem:s20], [sflag:$0x3] =	stream.linear.gather [hbm4b:s1+s3], $0x80, $0x38;
	[tilespmem:$0x19400] =	vst v63  }
0x176: {  	s0 =	sadd.s32 $0xD380, s0;
	s1 =	sand.u32 $0x1FFFFFF0, s21  }
0x177: {  	s22 =	sshll.u32 s10, $0x4;
	s23 =	rddreg [dreg:$0x5];
	s1 =	sadd.s32 s4, s1  }
0x178: {  	[tilespmem:s0], [sflag:$0x3] =	stream.linear.gather [hbm4b:s1+s3], $0x80, $0x38;
	[tilespmem:$0x19400] =	vst v63  }
0x179: {  	p0 =	seq.s32 s10, $0x1F;
	s25 =	simm.s32 $0x2;
	s0 =	sadd.s32 s23, s22  }
0x17a: {  	s28 =	simm.s32 $0x1900;
	_ =	swait.ge [sflag:s25], $0xC800;
	s0 =	smul.u32 $0x380, s0  }
0x17b: {  	s29 =	simm.s32 $0x1C00;
	[sflag:s25] =	ssyncset.done $0x0;
	s26 =	rddreg [dreg:$0x3]  }
0x17c: {  	s5 =	simm.s32 $0x400;
	[sflag:s25] =	ssyncadd.s32 $0xFFFF3800;
	s0 =	sadd.s32 s26, s0  }
0x17d: {  	[hbm4b:s0+s28] =	stream.strided.scatter [tilespmem:s5], [sflag:$0x4], $0xC800, s29, s28, $0x38;
	[tilespmem:$0x19400] =	vst v63  }
.Ltmp4:
0x17e: {  	s30 =	simm.s32 $0x3;
	(pc) =	sbr.rel @p0 .LBB2_8-.Ltmp4, $4  }
0x17f: {  	_ =	swait.ge [sflag:s30], $0xC800  }
0x180: {  	[sflag:s30] =	ssyncset.done $0x0  }
0x181: {  	s31 =	simm.s32 $0xCC00;
	s0 =	sadd.s32 $0x1C00, s0;
	[sflag:s30] =	ssyncadd.s32 $0xFFFF3800  }
0x182: {  	[hbm4b:s0+s28] =	stream.strided.scatter [tilespmem:s31], [sflag:$0x5], $0xC800, s29, s28, $0x38;
	[tilespmem:$0x19400] =	vst v63  }
0x183: {  	s0 =	sadd.s32 $0x2, s11  }
0x184: {  	s1 =	sshll.u32 s0, $0x9  }
0x185: {  	s0 =	sshll.u32 s0, $0x7;
	s1 =	sand.u32 $0xF000, s1  }
0x186: {  	s0 =	sand.u32 $0x300, s0;
	s1 =	sadd.s32 s8, s1  }
0x187: {  	s0 =	sor.u32 s0, s1  }
0x188: {  	s2 =	rddreg [dreg:$0x1];
	s0 =	sshrl.u32 s0, $0x3  }
0x189: {  	s0 =	sadd.s32 s2, s0  }
0x18a: {  	[tilespmem:s3], [sflag:$0x1] =	stream.linear.gather [hbm4b:s0+s3], $0x80, $0x38;
	[tilespmem:$0x19400] =	vst v63  }
0x18b: {  	s5 =	simm.s32 $0x100;
	s18 =	sadd.s32 $0x80, s0  }
0x18c: {  	[tilespmem:s5], [sflag:$0x1] =	stream.linear.gather [hbm4b:s18+s3], $0x80, $0x38;
	[tilespmem:$0x19400] =	vst v63  }
0x18d: {  	s20 =	simm.s32 $0x200;
	s22 =	sadd.s32 $0x3, s11;
	s19 =	sadd.s32 $0x100, s0  }
0x18e: {  	[tilespmem:s20], [sflag:$0x1] =	stream.linear.gather [hbm4b:s19+s3], $0x80, $0x38;
	[tilespmem:$0x19400] =	vst v63  }
0x18f: {  	s21 =	simm.s32 $0x300;
	s23 =	sshll.u32 s22, $0x9;
	s0 =	sadd.s32 $0x180, s0  }
0x190: {  	[tilespmem:s21], [sflag:$0x1] =	stream.linear.gather [hbm4b:s0+s3], $0x80, $0x38;
	[tilespmem:$0x19400] =	vst v63  }
0x191: {  	s1 =	sand.u32 $0xF000, s23;
	s0 =	sshll.u32 s22, $0x7  }
0x192: {  	s1 =	sadd.s32 s8, s1;
	s0 =	sand.u32 $0x380, s0  }
0x193: {  	s0 =	sor.u32 s0, s1  }
0x194: {  	s0 =	sshrl.u32 s0, $0x3  }
0x195: {  	s25 =	simm.s32 $0x80;
	s0 =	sadd.s32 s2, s0  }
0x196: {  	[tilespmem:s25], [sflag:$0x1] =	stream.linear.gather [hbm4b:s0+s3], $0x80, $0x38;
	[tilespmem:$0x19400] =	vst v63  }
0x197: {  	s28 =	simm.s32 $0x180;
	s26 =	sadd.s32 $0x80, s0  }
0x198: {  	[tilespmem:s28], [sflag:$0x1] =	stream.linear.gather [hbm4b:s26+s3], $0x80, $0x38;
	[tilespmem:$0x19400] =	vst v63  }
.Ltmp5:
0x199: {  	_ = 	snop;
	(pc) =	sbr.rel .LBB2_2-.Ltmp5, $4  }
0x19a: {  	s30 =	simm.s32 $0x280;
	s29 =	sadd.s32 $0x100, s0  }
0x19b: {  	[tilespmem:s30], [sflag:$0x1] =	stream.linear.gather [hbm4b:s29+s3], $0x80, $0x38;
	[tilespmem:$0x19400] =	vst v63  }
0x19c: {  	s31 =	simm.s32 $0x380;
	s10 =	sadd.s32 $0x1, s10;
	s0 =	sadd.s32 $0x180, s0  }
0x19d: {  	[tilespmem:s31], [sflag:$0x1] =	stream.linear.gather [hbm4b:s0+s3], $0x80, $0x38;
	[tilespmem:$0x19400] =	vst v63  }
.LBB2_9:
0x19e: {  	_ =	sfence.sel $0x180000  }
0x19f: {  	[bflag:$0x0] =	sbarrier.arrive $0xFFFF  }
0x1a0: {  	_ =	strace $0x90000047  }
0x1a1: {  	s0 =	stileid.u32;
	[bflag:$0x2] =	sbarrier.arrive $0xFFFF  }
0x1a2: {  	p0 =	sne.s32 s0, $0x0;
	s0 =	rddreg [dreg:$0x2]  }
0x1a3: {  	s0 =	sadd.s32 @!p0 $0x100000, s0  }
0x1a4: {  	[sflag:s0] =	ssyncadd.tile.s32 @!p0 $0x1;
	_ =	shalt  }
.Lfunc_end2:
_tile_overlayer_lowered:
.L_overlay_start_2:
0x1a5: {  	(tag) =	ssettag $0x2  }
0x1a6: {  	s0 =	rddreg [dreg:$0x0];
	s2 =	stileid.u32  }
0x1a7: {  	s1 =	rddreg [dreg:$0x1];
	p0 =	sne.s32 s2, $0x0  }
0x1a8: {  	s3 =	rddreg [dreg:$0x2];
	[bflag:$0x3] =	sbarrier.arrive $0xFFFF;
	s2 =	simm.s32 @!p0 $0x1C06  }
0x1a9: {  	[timem:s3], [sflag:s2] =	dma.local @!p0 [hbm:s0], s1  }
0x1aa: {  	s0 =	simm.s32 @!p0 $0x6  }
0x1ab: {  	_ =	swait.ge @!p0 [sflag:s0], s1  }
0x1ac: {  	s1 =	ssub.s32 @!p0 $0x0, s1;
	[sflag:s0] =	ssyncset.done @!p0 $0x0  }
0x1ad: {  	[sflag:s0] =	ssyncadd.s32 @!p0 s1  }
0x1ae: {  	[bflag:$0x3] =	sbarrier.arrive $0xFFFF  }
0x1af: {  	_ =	shalt  }

</sc_bundles>
